<compile_context>
chip_gen: v7x
topology: tpu7x:2x2x1
jax: 0.10.2.dev20260603
libtpu: 0.0.44.dev20260713+nightly
codegen_flags: <defaults>
</compile_context>

<pallas_src>
import functools

import jax
import jax.numpy as jnp
from jax import lax
from jax.experimental import pallas as pl
from jax.experimental.pallas import tpu as pltpu
from jax.experimental.pallas import tpu_sc as plsc

_NC, _NS = 2, 16
_NW = _NC * _NS


def _sc_gather(table, ids, BC, S):
    V, E = table.shape
    spw = BC // _NW
    mesh = plsc.VectorSubcoreMesh(core_axis_name="c", subcore_axis_name="s")

    @functools.partial(
        pl.kernel,
        out_type=jax.ShapeDtypeStruct((BC, S, E), jnp.float32),
        mesh=mesh,
        scratch_types=[
            pltpu.VMEM((spw * S,), jnp.int32),
            pltpu.VMEM((S, E), jnp.float32),
            pltpu.SemaphoreType.DMA,
        ],
    )
    def k(table_hbm, idx_hbm, out_hbm, idx_v, rows_v, sem):
        wid = lax.axis_index("s") * _NC + lax.axis_index("c")
        base = wid * spw
        pltpu.sync_copy(idx_hbm.at[pl.ds(base * S, spw * S)], idx_v)

        @pl.loop(0, spw)
        def _(i):
            pltpu.async_copy(
                table_hbm.at[idx_v.at[pl.ds(i * S, S)]], rows_v, sem
            ).wait()
            pltpu.sync_copy(rows_v, out_hbm.at[base + i])

    return k(table, ids)


def _tc_body(we_ref, tt_ref, w_ref, csum_ref, dg_ref, out_ref):
    BB, S, E = we_ref.shape
    H = out_ref.shape[2]
    we2 = we_ref[...].reshape(BB * S, E)
    zrow = jnp.zeros((1, E), jnp.float32)
    left = jnp.concatenate([we2[1:], zrow], axis=0)
    right = jnp.concatenate([zrow, we2[:-1]], axis=0)
    r = lax.broadcasted_iota(jnp.int32, (BB * S, 1), 0) % S
    left = jnp.where(r == (S - 1), 0.0, left)
    right = jnp.where(r == 0, 0.0, right)
    x = jnp.dot(we2, w_ref[E:2 * E], preferred_element_type=jnp.float32)
    x = x + jnp.dot(left, w_ref[:E], preferred_element_type=jnp.float32)
    x = x + jnp.dot(right, w_ref[2 * E:], preferred_element_type=jnp.float32)
    x3 = x.reshape(BB, S, H)
    acc = x3 + csum_ref[...][None]
    tt_t = tt_ref[...].astype(jnp.float32).T
    dg = dg_ref[...]
    for bb in range(BB):
        out_ref[bb] = acc[bb] + tt_t[:, bb:bb + 1] * dg


def _tc_chunk_body(buf_ref, we_ref, tt_ref, w_ref, csum_ref, dg_ref, out_ref):
    del buf_ref
    _tc_body(we_ref, tt_ref, w_ref, csum_ref, dg_ref, out_ref)


def _tc_embed_chunk(buf, we3, tt, Wg, csum, dg, off, BB, B):
    BC, S, E2 = we3.shape
    H = csum.shape[1]
    nb = BC // BB
    specs = [
        pl.BlockSpec((BB, S, E2), lambda j: (j, 0, 0)),
        pl.BlockSpec((BB, S), lambda j: (off + j, 0)),
        pl.BlockSpec(Wg.shape, lambda j: (0, 0)),
        pl.BlockSpec((S, H), lambda j: (0, 0)),
        pl.BlockSpec((1, H), lambda j: (0, 0)),
    ]
    if buf is None:
        return pl.pallas_call(
            _tc_body,
            grid=(nb,),
            in_specs=specs,
            out_specs=pl.BlockSpec((BB, S, H), lambda j: (off + j, 0, 0)),
            out_shape=jax.ShapeDtypeStruct((B, S, H), jnp.float32),
        )(we3, tt, Wg, csum, dg)
    return pl.pallas_call(
        _tc_chunk_body,
        grid=(nb,),
        in_specs=[pl.BlockSpec(memory_space=pl.ANY)] + specs,
        out_specs=pl.BlockSpec((BB, S, H), lambda j: (off + j, 0, 0)),
        out_shape=jax.ShapeDtypeStruct((B, S, H), jnp.float32),
        input_output_aliases={0: 0},
    )(buf, we3, tt, Wg, csum, dg)


def kernel(input_ids, token_type_ids, position_ids, word_table, pos_table,
           type_table, W, b, gamma, beta):
    B, S = input_ids.shape
    V, E = word_table.shape
    H = pos_table.shape[1]

    pe = jnp.take(pos_table, position_ids[0], axis=0)
    Wg = W.T * gamma[None, :]
    csum = (pe + b[None, :] + type_table[0][None, :]) * gamma[None, :] \
        + beta[None, :]
    dg = ((type_table[1] - type_table[0]) * gamma).reshape(1, H)
    tt = token_type_ids.astype(jnp.int32)

    chunks = [32, 32, 64, 128] if B == 256 else [B // 4] * 4
    BB = 8
    ids = input_ids.astype(jnp.int32).reshape(B * S)
    wes = []
    start = 0
    for BC in chunks:
        wes.append(_sc_gather(
            word_table, lax.slice(ids, (start * S,), ((start + BC) * S,)),
            BC, S))
        start += BC
    buf = None
    start = 0
    for BC, we3 in zip(chunks, wes):
        buf = _tc_embed_chunk(buf, we3, tt, Wg, csum, dg, start // BB, BB, B)
        start += BC
    return buf

# --- scband reference (transcript-rebuilt; emitter-appended) ---
"""Pipeline reference for scband-mobile-bert-embedding-29686813950502 (READ-ONLY COPY).

The authoritative reference and input builder live on the scoring server;
editing this copy changes nothing except your own understanding.
"""

import jax, jax.numpy as jnp
import numpy as np

B, S = 256, 512
V, E, H, P, T = 30522, 128, 512, 512, 2


def setup_inputs(seed: int = 0) -> dict:
    key = jax.random.key(seed)
    ks = jax.random.split(key, 8)
    input_ids = jax.random.randint(ks[0], (B, S), 0, V)
    token_type_ids = jax.random.randint(ks[1], (B, S), 0, T)
    position_ids = jnp.arange(S).reshape(1, S)
    word_table = jax.random.normal(ks[2], (V, E), dtype=jnp.float32) * 0.02
    word_table = word_table.at[0].set(0.0)  # padding_idx=0 row zeroed
    pos_table = jax.random.normal(ks[3], (P, H), dtype=jnp.float32) * 0.02
    type_table = jax.random.normal(ks[4], (T, H), dtype=jnp.float32) * 0.02
    W = jax.random.normal(ks[5], (H, 3 * E), dtype=jnp.float32) * 0.02
    b = jnp.zeros((H,), dtype=jnp.float32)
    gamma = jnp.ones((H,), dtype=jnp.float32)
    beta = jnp.zeros((H,), dtype=jnp.float32)
    return {
        "input_ids": input_ids,
        "token_type_ids": token_type_ids,
        "position_ids": position_ids,
        "word_table": word_table,
        "pos_table": pos_table,
        "type_table": type_table,
        "W": W,
        "b": b,
        "gamma": gamma,
        "beta": beta,
    }


def reference(input_ids, token_type_ids, position_ids, word_table, pos_table, type_table, W, b, gamma, beta):
    # embedding gathers (SparseCore-friendly)
    we = jnp.take(word_table, input_ids, axis=0)          # [B, S, E]
    pe = jnp.take(pos_table, position_ids, axis=0)        # [1, S, H]
    te = jnp.take(type_table, token_type_ids, axis=0)     # [B, S, H]
    # MobileBERT trigram-style pad transformation along seq dim
    left = jnp.pad(we[:, 1:], ((0, 0), (0, 1), (0, 0)), constant_values=0.0)
    right = jnp.pad(we[:, :-1], ((0, 0), (1, 0), (0, 0)), constant_values=0.0)
    we3 = jnp.concatenate([left, we, right], axis=2)       # [B, S, 3E]
    x = we3 @ W.T + b                                      # [B, S, H]
    emb = x + pe + te
    # NoNorm: elementwise affine, no normalization; dropout p=0.0 is identity
    out = emb * gamma + beta
    return out

if __name__ == "__main__":
    import jax
    _d = setup_inputs()
    print(jax.jit(kernel)(*tuple(_d.values())))

</pallas_src>

<mosaic_0001>
#map = affine_map<(d0, d1) -> (0, 0)>
#map1 = affine_map<(d0, d1) -> (0)>
#map2 = affine_map<(d0, d1) -> (0, 0, 0)>
module attributes {stable_mosaic.version = 14 : i64} {
  func.func @k(%arg0: i32, %arg1: i32, %arg2: memref<30522x128xf32, #tpu.memory_space<hbm>>, %arg3: memref<65536xi32, #tpu.memory_space<hbm>>, %arg4: memref<128x512x128xf32, #tpu.memory_space<hbm>>, %arg5: memref<2048xi32, #tpu.memory_space<vmem>>, %arg6: memref<512x128xf32, #tpu.memory_space<vmem>>, %arg7: memref<!tpu.dma_semaphore, #tpu.memory_space<semaphore_mem>>) attributes {dimension_semantics = [#tpu.dimension_semantics<core_parallel>, #tpu.dimension_semantics<subcore_parallel>], iteration_bounds = array<i64: 2, 16>, scalar_prefetch = 0 : i64, scratch_operands = 3 : i64, tpu.core_type = #tpu.core_type<sc_vector_subcore>, window_params = [{transform_indices = #map}, {transform_indices = #map1}, {transform_indices = #map2}]} {
    %mul3A = arith.constant 2 : i32
    %mul3A_0 = arith.muli %arg1, %mul3A : i32
    %add3A = arith.addi %mul3A_0, %arg0 : i32
    %mul3A_1 = arith.constant 4 : i32
    %mul3A_2 = arith.muli %add3A, %mul3A_1 : i32
    %mul3A_3 = arith.constant 512 : i32
    %mul3A_4 = arith.muli %mul3A_2, %mul3A_3 : i32
    "tpu.region"() ({
      %run_scoped3A = tpu.sem_alloc : memref<!tpu.dma_semaphore, #tpu.memory_space<semaphore_mem>>
      %dma_start3A = tpu.memref_slice %arg3[%mul3A_4] : memref<65536xi32, #tpu.memory_space<hbm>> -> memref<2048xi32, #tpu.memory_space<hbm>>
      %dma_start3A_9 = tpu.memref_slice %arg3[%mul3A_4] : memref<65536xi32, #tpu.memory_space<hbm>> -> memref<2048xi32, #tpu.memory_space<hbm>>
      tpu.enqueue_dma source(%dma_start3A_9 : memref<2048xi32, #tpu.memory_space<hbm>>) target(%arg5 : memref<2048xi32, #tpu.memory_space<vmem>>) target_semaphore(%run_scoped3A : memref<!tpu.dma_semaphore, #tpu.memory_space<semaphore_mem>>)
      %dma_wait3A = tpu.memref_slice %arg3[%mul3A_4] : memref<65536xi32, #tpu.memory_space<hbm>> -> memref<2048xi32, #tpu.memory_space<hbm>>
      %dma_wait3A_10 = tpu.memref_slice %arg3[%mul3A_4] : memref<65536xi32, #tpu.memory_space<hbm>> -> memref<2048xi32, #tpu.memory_space<hbm>>
      tpu.wait_dma2 semaphore(%run_scoped3A : memref<!tpu.dma_semaphore, #tpu.memory_space<semaphore_mem>>) src(%dma_wait3A_10 : memref<2048xi32, #tpu.memory_space<hbm>>) dst(%arg5 : memref<2048xi32, #tpu.memory_space<vmem>>)
      tpu.yield
    }) : () -> ()
    %scan3A = arith.constant 0 : i32
    %scan3A_5 = arith.constant 4 : i32
    %scan3A_6 = arith.addi %scan3A, %scan3A_5 : i32
    %scan3A_7 = arith.constant 1 : i32
    scf.for %scan3A_9 = %scan3A to %scan3A_6 step %scan3A_7  : i32 {
      %mul3A_10 = arith.constant 1 : i32
      %mul3A_11 = arith.muli %scan3A_9, %mul3A_10 : i32
      %add3A_12 = arith.constant 0 : i32
      %add3A_13 = arith.addi %add3A_12, %mul3A_11 : i32
      %mul3A_14 = arith.constant 512 : i32
      %mul3A_15 = arith.muli %add3A_13, %mul3A_14 : i32
      %dma_start3A = tpu.memref_slice %arg5[%mul3A_15] : memref<2048xi32, #tpu.memory_space<vmem>> -> memref<512xi32, #tpu.memory_space<vmem>>
      %dma_start3A_16 = arith.constant 0 : i32
      %dma_start3A_17 = arith.constant 0 : i32
      %dma_start3A_18 = tpu.memref_slice %arg2[%dma_start3A_16, %dma_start3A_17] : memref<30522x128xf32, #tpu.memory_space<hbm>> -> memref<30522x128xf32, #tpu.memory_space<hbm>>
      tpu.enqueue_indirect_dma source(%dma_start3A_18 : memref<30522x128xf32, #tpu.memory_space<hbm>>) target(%arg6 : memref<512x128xf32, #tpu.memory_space<vmem>>) offsets(%dma_start3A : memref<512xi32, #tpu.memory_space<vmem>>) semaphore(%arg7 : memref<!tpu.dma_semaphore, #tpu.memory_space<semaphore_mem>>)
      %dma_wait3A = tpu.memref_slice %arg5[%mul3A_15] : memref<2048xi32, #tpu.memory_space<vmem>> -> memref<512xi32, #tpu.memory_space<vmem>>
      %dma_wait3A_19 = arith.constant 0 : i32
      %dma_wait3A_20 = arith.constant 0 : i32
      %dma_wait3A_21 = tpu.memref_slice %arg2[%dma_wait3A_19, %dma_wait3A_20] : memref<30522x128xf32, #tpu.memory_space<hbm>> -> memref<30522x128xf32, #tpu.memory_space<hbm>>
      tpu.wait_indirect_dma semaphore(%arg7 : memref<!tpu.dma_semaphore, #tpu.memory_space<semaphore_mem>>) src(%dma_wait3A_21 : memref<30522x128xf32, #tpu.memory_space<hbm>>) dst(%arg6 : memref<512x128xf32, #tpu.memory_space<vmem>>)
      %add3A_22 = arith.addi %mul3A_2, %add3A_13 : i32
      "tpu.region"() ({
        %run_scoped3A = tpu.sem_alloc : memref<!tpu.dma_semaphore, #tpu.memory_space<semaphore_mem>>
        %dma_start3A_23 = arith.constant 0 : i32
        %dma_start3A_24 = arith.constant 0 : i32
        %dma_start3A_25 = tpu.memref_slice %arg4[%add3A_22, %dma_start3A_23, %dma_start3A_24] : memref<128x512x128xf32, #tpu.memory_space<hbm>> -> memref<1x512x128xf32, #tpu.memory_space<hbm>>
        %dma_start3A_26 = tpu.memref_squeeze %dma_start3A_25 : memref<1x512x128xf32, #tpu.memory_space<hbm>> -> memref<512x128xf32, #tpu.memory_space<hbm>>
        %dma_start3A_27 = arith.constant 0 : i32
        %dma_start3A_28 = arith.constant 0 : i32
        %dma_start3A_29 = tpu.memref_slice %arg4[%add3A_22, %dma_start3A_27, %dma_start3A_28] : memref<128x512x128xf32, #tpu.memory_space<hbm>> -> memref<1x512x128xf32, #tpu.memory_space<hbm>>
        %dma_start3A_30 = tpu.memref_squeeze %dma_start3A_29 : memref<1x512x128xf32, #tpu.memory_space<hbm>> -> memref<512x128xf32, #tpu.memory_space<hbm>>
        tpu.enqueue_dma source(%arg6 : memref<512x128xf32, #tpu.memory_space<vmem>>) target(%dma_start3A_30 : memref<512x128xf32, #tpu.memory_space<hbm>>) target_semaphore(%run_scoped3A : memref<!tpu.dma_semaphore, #tpu.memory_space<semaphore_mem>>)
        %dma_wait3A_31 = arith.constant 0 : i32
        %dma_wait3A_32 = arith.constant 0 : i32
        %dma_wait3A_33 = tpu.memref_slice %arg4[%add3A_22, %dma_wait3A_31, %dma_wait3A_32] : memref<128x512x128xf32, #tpu.memory_space<hbm>> -> memref<1x512x128xf32, #tpu.memory_space<hbm>>
        %dma_wait3A_34 = tpu.memref_squeeze %dma_wait3A_33 : memref<1x512x128xf32, #tpu.memory_space<hbm>> -> memref<512x128xf32, #tpu.memory_space<hbm>>
        %dma_wait3A_35 = arith.constant 0 : i32
        %dma_wait3A_36 = arith.constant 0 : i32
        %dma_wait3A_37 = tpu.memref_slice %arg4[%add3A_22, %dma_wait3A_35, %dma_wait3A_36] : memref<128x512x128xf32, #tpu.memory_space<hbm>> -> memref<1x512x128xf32, #tpu.memory_space<hbm>>
        %dma_wait3A_38 = tpu.memref_squeeze %dma_wait3A_37 : memref<1x512x128xf32, #tpu.memory_space<hbm>> -> memref<512x128xf32, #tpu.memory_space<hbm>>
        tpu.wait_dma2 semaphore(%run_scoped3A : memref<!tpu.dma_semaphore, #tpu.memory_space<semaphore_mem>>) src(%arg6 : memref<512x128xf32, #tpu.memory_space<vmem>>) dst(%dma_wait3A_38 : memref<512x128xf32, #tpu.memory_space<hbm>>)
        tpu.yield
      }) : () -> ()
    }
    %scan3A_8 = arith.constant 4 : i32
    return
  }
}

#map = affine_map<(d0, d1) -> (0, 0)>
#map1 = affine_map<(d0, d1) -> (0)>
#map2 = affine_map<(d0, d1) -> (0, 0, 0)>
module attributes {stable_mosaic.version = 14 : i64} {
  func.func @k(%arg0: i32, %arg1: i32, %arg2: memref<30522x128xf32, #tpu.memory_space<hbm>>, %arg3: memref<32768xi32, #tpu.memory_space<hbm>>, %arg4: memref<64x512x128xf32, #tpu.memory_space<hbm>>, %arg5: memref<1024xi32, #tpu.memory_space<vmem>>, %arg6: memref<512x128xf32, #tpu.memory_space<vmem>>, %arg7: memref<!tpu.dma_semaphore, #tpu.memory_space<semaphore_mem>>) attributes {dimension_semantics = [#tpu.dimension_semantics<core_parallel>, #tpu.dimension_semantics<subcore_parallel>], iteration_bounds = array<i64: 2, 16>, scalar_prefetch = 0 : i64, scratch_operands = 3 : i64, tpu.core_type = #tpu.core_type<sc_vector_subcore>, window_params = [{transform_indices = #map}, {transform_indices = #map1}, {transform_indices = #map2}]} {
    %mul3A = arith.constant 2 : i32
    %mul3A_0 = arith.muli %arg1, %mul3A : i32
    %add3A = arith.addi %mul3A_0, %arg0 : i32
    %mul3A_1 = arith.constant 2 : i32
    %mul3A_2 = arith.muli %add3A, %mul3A_1 : i32
    %mul3A_3 = arith.constant 512 : i32
    %mul3A_4 = arith.muli %mul3A_2, %mul3A_3 : i32
    "tpu.region"() ({
      %run_scoped3A = tpu.sem_alloc : memref<!tpu.dma_semaphore, #tpu.memory_space<semaphore_mem>>
      %dma_start3A = tpu.memref_slice %arg3[%mul3A_4] : memref<32768xi32, #tpu.memory_space<hbm>> -> memref<1024xi32, #tpu.memory_space<hbm>>
      %dma_start3A_9 = tpu.memref_slice %arg3[%mul3A_4] : memref<32768xi32, #tpu.memory_space<hbm>> -> memref<1024xi32, #tpu.memory_space<hbm>>
      tpu.enqueue_dma source(%dma_start3A_9 : memref<1024xi32, #tpu.memory_space<hbm>>) target(%arg5 : memref<1024xi32, #tpu.memory_space<vmem>>) target_semaphore(%run_scoped3A : memref<!tpu.dma_semaphore, #tpu.memory_space<semaphore_mem>>)
      %dma_wait3A = tpu.memref_slice %arg3[%mul3A_4] : memref<32768xi32, #tpu.memory_space<hbm>> -> memref<1024xi32, #tpu.memory_space<hbm>>
      %dma_wait3A_10 = tpu.memref_slice %arg3[%mul3A_4] : memref<32768xi32, #tpu.memory_space<hbm>> -> memref<1024xi32, #tpu.memory_space<hbm>>
      tpu.wait_dma2 semaphore(%run_scoped3A : memref<!tpu.dma_semaphore, #tpu.memory_space<semaphore_mem>>) src(%dma_wait3A_10 : memref<1024xi32, #tpu.memory_space<hbm>>) dst(%arg5 : memref<1024xi32, #tpu.memory_space<vmem>>)
      tpu.yield
    }) : () -> ()
    %scan3A = arith.constant 0 : i32
    %scan3A_5 = arith.constant 2 : i32
    %scan3A_6 = arith.addi %scan3A, %scan3A_5 : i32
    %scan3A_7 = arith.constant 1 : i32
    scf.for %scan3A_9 = %scan3A to %scan3A_6 step %scan3A_7  : i32 {
      %mul3A_10 = arith.constant 1 : i32
      %mul3A_11 = arith.muli %scan3A_9, %mul3A_10 : i32
      %add3A_12 = arith.constant 0 : i32
      %add3A_13 = arith.addi %add3A_12, %mul3A_11 : i32
      %mul3A_14 = arith.constant 512 : i32
      %mul3A_15 = arith.muli %add3A_13, %mul3A_14 : i32
      %dma_start3A = tpu.memref_slice %arg5[%mul3A_15] : memref<1024xi32, #tpu.memory_space<vmem>> -> memref<512xi32, #tpu.memory_space<vmem>>
      %dma_start3A_16 = arith.constant 0 : i32
      %dma_start3A_17 = arith.constant 0 : i32
      %dma_start3A_18 = tpu.memref_slice %arg2[%dma_start3A_16, %dma_start3A_17] : memref<30522x128xf32, #tpu.memory_space<hbm>> -> memref<30522x128xf32, #tpu.memory_space<hbm>>
      tpu.enqueue_indirect_dma source(%dma_start3A_18 : memref<30522x128xf32, #tpu.memory_space<hbm>>) target(%arg6 : memref<512x128xf32, #tpu.memory_space<vmem>>) offsets(%dma_start3A : memref<512xi32, #tpu.memory_space<vmem>>) semaphore(%arg7 : memref<!tpu.dma_semaphore, #tpu.memory_space<semaphore_mem>>)
      %dma_wait3A = tpu.memref_slice %arg5[%mul3A_15] : memref<1024xi32, #tpu.memory_space<vmem>> -> memref<512xi32, #tpu.memory_space<vmem>>
      %dma_wait3A_19 = arith.constant 0 : i32
      %dma_wait3A_20 = arith.constant 0 : i32
      %dma_wait3A_21 = tpu.memref_slice %arg2[%dma_wait3A_19, %dma_wait3A_20] : memref<30522x128xf32, #tpu.memory_space<hbm>> -> memref<30522x128xf32, #tpu.memory_space<hbm>>
      tpu.wait_indirect_dma semaphore(%arg7 : memref<!tpu.dma_semaphore, #tpu.memory_space<semaphore_mem>>) src(%dma_wait3A_21 : memref<30522x128xf32, #tpu.memory_space<hbm>>) dst(%arg6 : memref<512x128xf32, #tpu.memory_space<vmem>>)
      %add3A_22 = arith.addi %mul3A_2, %add3A_13 : i32
      "tpu.region"() ({
        %run_scoped3A = tpu.sem_alloc : memref<!tpu.dma_semaphore, #tpu.memory_space<semaphore_mem>>
        %dma_start3A_23 = arith.constant 0 : i32
        %dma_start3A_24 = arith.constant 0 : i32
        %dma_start3A_25 = tpu.memref_slice %arg4[%add3A_22, %dma_start3A_23, %dma_start3A_24] : memref<64x512x128xf32, #tpu.memory_space<hbm>> -> memref<1x512x128xf32, #tpu.memory_space<hbm>>
        %dma_start3A_26 = tpu.memref_squeeze %dma_start3A_25 : memref<1x512x128xf32, #tpu.memory_space<hbm>> -> memref<512x128xf32, #tpu.memory_space<hbm>>
        %dma_start3A_27 = arith.constant 0 : i32
        %dma_start3A_28 = arith.constant 0 : i32
        %dma_start3A_29 = tpu.memref_slice %arg4[%add3A_22, %dma_start3A_27, %dma_start3A_28] : memref<64x512x128xf32, #tpu.memory_space<hbm>> -> memref<1x512x128xf32, #tpu.memory_space<hbm>>
        %dma_start3A_30 = tpu.memref_squeeze %dma_start3A_29 : memref<1x512x128xf32, #tpu.memory_space<hbm>> -> memref<512x128xf32, #tpu.memory_space<hbm>>
        tpu.enqueue_dma source(%arg6 : memref<512x128xf32, #tpu.memory_space<vmem>>) target(%dma_start3A_30 : memref<512x128xf32, #tpu.memory_space<hbm>>) target_semaphore(%run_scoped3A : memref<!tpu.dma_semaphore, #tpu.memory_space<semaphore_mem>>)
        %dma_wait3A_31 = arith.constant 0 : i32
        %dma_wait3A_32 = arith.constant 0 : i32
        %dma_wait3A_33 = tpu.memref_slice %arg4[%add3A_22, %dma_wait3A_31, %dma_wait3A_32] : memref<64x512x128xf32, #tpu.memory_space<hbm>> -> memref<1x512x128xf32, #tpu.memory_space<hbm>>
        %dma_wait3A_34 = tpu.memref_squeeze %dma_wait3A_33 : memref<1x512x128xf32, #tpu.memory_space<hbm>> -> memref<512x128xf32, #tpu.memory_space<hbm>>
        %dma_wait3A_35 = arith.constant 0 : i32
        %dma_wait3A_36 = arith.constant 0 : i32
        %dma_wait3A_37 = tpu.memref_slice %arg4[%add3A_22, %dma_wait3A_35, %dma_wait3A_36] : memref<64x512x128xf32, #tpu.memory_space<hbm>> -> memref<1x512x128xf32, #tpu.memory_space<hbm>>
        %dma_wait3A_38 = tpu.memref_squeeze %dma_wait3A_37 : memref<1x512x128xf32, #tpu.memory_space<hbm>> -> memref<512x128xf32, #tpu.memory_space<hbm>>
        tpu.wait_dma2 semaphore(%run_scoped3A : memref<!tpu.dma_semaphore, #tpu.memory_space<semaphore_mem>>) src(%arg6 : memref<512x128xf32, #tpu.memory_space<vmem>>) dst(%dma_wait3A_38 : memref<512x128xf32, #tpu.memory_space<hbm>>)
        tpu.yield
      }) : () -> ()
    }
    %scan3A_8 = arith.constant 2 : i32
    return
  }
}

#map = affine_map<(d0, d1) -> (0, 0)>
#map1 = affine_map<(d0, d1) -> (0)>
#map2 = affine_map<(d0, d1) -> (0, 0, 0)>
module attributes {stable_mosaic.version = 14 : i64} {
  func.func @k(%arg0: i32, %arg1: i32, %arg2: memref<30522x128xf32, #tpu.memory_space<hbm>>, %arg3: memref<16384xi32, #tpu.memory_space<hbm>>, %arg4: memref<32x512x128xf32, #tpu.memory_space<hbm>>, %arg5: memref<512xi32, #tpu.memory_space<vmem>>, %arg6: memref<512x128xf32, #tpu.memory_space<vmem>>, %arg7: memref<!tpu.dma_semaphore, #tpu.memory_space<semaphore_mem>>) attributes {dimension_semantics = [#tpu.dimension_semantics<core_parallel>, #tpu.dimension_semantics<subcore_parallel>], iteration_bounds = array<i64: 2, 16>, scalar_prefetch = 0 : i64, scratch_operands = 3 : i64, tpu.core_type = #tpu.core_type<sc_vector_subcore>, window_params = [{transform_indices = #map}, {transform_indices = #map1}, {transform_indices = #map2}]} {
    %mul3A = arith.constant 2 : i32
    %mul3A_0 = arith.muli %arg1, %mul3A : i32
    %add3A = arith.addi %mul3A_0, %arg0 : i32
    %mul3A_1 = arith.constant 1 : i32
    %mul3A_2 = arith.muli %add3A, %mul3A_1 : i32
    %mul3A_3 = arith.constant 512 : i32
    %mul3A_4 = arith.muli %mul3A_2, %mul3A_3 : i32
    "tpu.region"() ({
      %run_scoped3A = tpu.sem_alloc : memref<!tpu.dma_semaphore, #tpu.memory_space<semaphore_mem>>
      %dma_start3A_19 = tpu.memref_slice %arg3[%mul3A_4] : memref<16384xi32, #tpu.memory_space<hbm>> -> memref<512xi32, #tpu.memory_space<hbm>>
      %dma_start3A_20 = tpu.memref_slice %arg3[%mul3A_4] : memref<16384xi32, #tpu.memory_space<hbm>> -> memref<512xi32, #tpu.memory_space<hbm>>
      tpu.enqueue_dma source(%dma_start3A_20 : memref<512xi32, #tpu.memory_space<hbm>>) target(%arg5 : memref<512xi32, #tpu.memory_space<vmem>>) target_semaphore(%run_scoped3A : memref<!tpu.dma_semaphore, #tpu.memory_space<semaphore_mem>>)
      %dma_wait3A_21 = tpu.memref_slice %arg3[%mul3A_4] : memref<16384xi32, #tpu.memory_space<hbm>> -> memref<512xi32, #tpu.memory_space<hbm>>
      %dma_wait3A_22 = tpu.memref_slice %arg3[%mul3A_4] : memref<16384xi32, #tpu.memory_space<hbm>> -> memref<512xi32, #tpu.memory_space<hbm>>
      tpu.wait_dma2 semaphore(%run_scoped3A : memref<!tpu.dma_semaphore, #tpu.memory_space<semaphore_mem>>) src(%dma_wait3A_22 : memref<512xi32, #tpu.memory_space<hbm>>) dst(%arg5 : memref<512xi32, #tpu.memory_space<vmem>>)
      tpu.yield
    }) : () -> ()
    %scan3A = arith.constant 0 : i32
    %mul3A_5 = arith.constant 1 : i32
    %mul3A_6 = arith.muli %scan3A, %mul3A_5 : i32
    %add3A_7 = arith.constant 0 : i32
    %add3A_8 = arith.addi %add3A_7, %mul3A_6 : i32
    %mul3A_9 = arith.constant 512 : i32
    %mul3A_10 = arith.muli %add3A_8, %mul3A_9 : i32
    %dma_start3A = tpu.memref_slice %arg5[%mul3A_10] : memref<512xi32, #tpu.memory_space<vmem>> -> memref<512xi32, #tpu.memory_space<vmem>>
    %dma_start3A_11 = arith.constant 0 : i32
    %dma_start3A_12 = arith.constant 0 : i32
    %dma_start3A_13 = tpu.memref_slice %arg2[%dma_start3A_11, %dma_start3A_12] : memref<30522x128xf32, #tpu.memory_space<hbm>> -> memref<30522x128xf32, #tpu.memory_space<hbm>>
    tpu.enqueue_indirect_dma source(%dma_start3A_13 : memref<30522x128xf32, #tpu.memory_space<hbm>>) target(%arg6 : memref<512x128xf32, #tpu.memory_space<vmem>>) offsets(%dma_start3A : memref<512xi32, #tpu.memory_space<vmem>>) semaphore(%arg7 : memref<!tpu.dma_semaphore, #tpu.memory_space<semaphore_mem>>)
    %dma_wait3A = tpu.memref_slice %arg5[%mul3A_10] : memref<512xi32, #tpu.memory_space<vmem>> -> memref<512xi32, #tpu.memory_space<vmem>>
    %dma_wait3A_14 = arith.constant 0 : i32
    %dma_wait3A_15 = arith.constant 0 : i32
    %dma_wait3A_16 = tpu.memref_slice %arg2[%dma_wait3A_14, %dma_wait3A_15] : memref<30522x128xf32, #tpu.memory_space<hbm>> -> memref<30522x128xf32, #tpu.memory_space<hbm>>
    tpu.wait_indirect_dma semaphore(%arg7 : memref<!tpu.dma_semaphore, #tpu.memory_space<semaphore_mem>>) src(%dma_wait3A_16 : memref<30522x128xf32, #tpu.memory_space<hbm>>) dst(%arg6 : memref<512x128xf32, #tpu.memory_space<vmem>>)
    %add3A_17 = arith.addi %mul3A_2, %add3A_8 : i32
    "tpu.region"() ({
      %run_scoped3A = tpu.sem_alloc : memref<!tpu.dma_semaphore, #tpu.memory_space<semaphore_mem>>
      %dma_start3A_19 = arith.constant 0 : i32
      %dma_start3A_20 = arith.constant 0 : i32
      %dma_start3A_21 = tpu.memref_slice %arg4[%add3A_17, %dma_start3A_19, %dma_start3A_20] : memref<32x512x128xf32, #tpu.memory_space<hbm>> -> memref<1x512x128xf32, #tpu.memory_space<hbm>>
      %dma_start3A_22 = tpu.memref_squeeze %dma_start3A_21 : memref<1x512x128xf32, #tpu.memory_space<hbm>> -> memref<512x128xf32, #tpu.memory_space<hbm>>
      %dma_start3A_23 = arith.constant 0 : i32
      %dma_start3A_24 = arith.constant 0 : i32
      %dma_start3A_25 = tpu.memref_slice %arg4[%add3A_17, %dma_start3A_23, %dma_start3A_24] : memref<32x512x128xf32, #tpu.memory_space<hbm>> -> memref<1x512x128xf32, #tpu.memory_space<hbm>>
      %dma_start3A_26 = tpu.memref_squeeze %dma_start3A_25 : memref<1x512x128xf32, #tpu.memory_space<hbm>> -> memref<512x128xf32, #tpu.memory_space<hbm>>
      tpu.enqueue_dma source(%arg6 : memref<512x128xf32, #tpu.memory_space<vmem>>) target(%dma_start3A_26 : memref<512x128xf32, #tpu.memory_space<hbm>>) target_semaphore(%run_scoped3A : memref<!tpu.dma_semaphore, #tpu.memory_space<semaphore_mem>>)
      %dma_wait3A_27 = arith.constant 0 : i32
      %dma_wait3A_28 = arith.constant 0 : i32
      %dma_wait3A_29 = tpu.memref_slice %arg4[%add3A_17, %dma_wait3A_27, %dma_wait3A_28] : memref<32x512x128xf32, #tpu.memory_space<hbm>> -> memref<1x512x128xf32, #tpu.memory_space<hbm>>
      %dma_wait3A_30 = tpu.memref_squeeze %dma_wait3A_29 : memref<1x512x128xf32, #tpu.memory_space<hbm>> -> memref<512x128xf32, #tpu.memory_space<hbm>>
      %dma_wait3A_31 = arith.constant 0 : i32
      %dma_wait3A_32 = arith.constant 0 : i32
      %dma_wait3A_33 = tpu.memref_slice %arg4[%add3A_17, %dma_wait3A_31, %dma_wait3A_32] : memref<32x512x128xf32, #tpu.memory_space<hbm>> -> memref<1x512x128xf32, #tpu.memory_space<hbm>>
      %dma_wait3A_34 = tpu.memref_squeeze %dma_wait3A_33 : memref<1x512x128xf32, #tpu.memory_space<hbm>> -> memref<512x128xf32, #tpu.memory_space<hbm>>
      tpu.wait_dma2 semaphore(%run_scoped3A : memref<!tpu.dma_semaphore, #tpu.memory_space<semaphore_mem>>) src(%arg6 : memref<512x128xf32, #tpu.memory_space<vmem>>) dst(%dma_wait3A_34 : memref<512x128xf32, #tpu.memory_space<hbm>>)
      tpu.yield
    }) : () -> ()
    %scan3A_18 = arith.constant 1 : i32
    return
  }
}

#map = affine_map<(d0, d1) -> (0, 0)>
#map1 = affine_map<(d0, d1) -> (0)>
#map2 = affine_map<(d0, d1) -> (0, 0, 0)>
module attributes {stable_mosaic.version = 14 : i64} {
  func.func @k(%arg0: i32, %arg1: i32, %arg2: memref<30522x128xf32, #tpu.memory_space<hbm>>, %arg3: memref<16384xi32, #tpu.memory_space<hbm>>, %arg4: memref<32x512x128xf32, #tpu.memory_space<hbm>>, %arg5: memref<512xi32, #tpu.memory_space<vmem>>, %arg6: memref<512x128xf32, #tpu.memory_space<vmem>>, %arg7: memref<!tpu.dma_semaphore, #tpu.memory_space<semaphore_mem>>) attributes {dimension_semantics = [#tpu.dimension_semantics<core_parallel>, #tpu.dimension_semantics<subcore_parallel>], iteration_bounds = array<i64: 2, 16>, scalar_prefetch = 0 : i64, scratch_operands = 3 : i64, tpu.core_type = #tpu.core_type<sc_vector_subcore>, window_params = [{transform_indices = #map}, {transform_indices = #map1}, {transform_indices = #map2}]} {
    %mul3A = arith.constant 2 : i32
    %mul3A_0 = arith.muli %arg1, %mul3A : i32
    %add3A = arith.addi %mul3A_0, %arg0 : i32
    %mul3A_1 = arith.constant 1 : i32
    %mul3A_2 = arith.muli %add3A, %mul3A_1 : i32
    %mul3A_3 = arith.constant 512 : i32
    %mul3A_4 = arith.muli %mul3A_2, %mul3A_3 : i32
    "tpu.region"() ({
      %run_scoped3A = tpu.sem_alloc : memref<!tpu.dma_semaphore, #tpu.memory_space<semaphore_mem>>
      %dma_start3A_19 = tpu.memref_slice %arg3[%mul3A_4] : memref<16384xi32, #tpu.memory_space<hbm>> -> memref<512xi32, #tpu.memory_space<hbm>>
      %dma_start3A_20 = tpu.memref_slice %arg3[%mul3A_4] : memref<16384xi32, #tpu.memory_space<hbm>> -> memref<512xi32, #tpu.memory_space<hbm>>
      tpu.enqueue_dma source(%dma_start3A_20 : memref<512xi32, #tpu.memory_space<hbm>>) target(%arg5 : memref<512xi32, #tpu.memory_space<vmem>>) target_semaphore(%run_scoped3A : memref<!tpu.dma_semaphore, #tpu.memory_space<semaphore_mem>>)
      %dma_wait3A_21 = tpu.memref_slice %arg3[%mul3A_4] : memref<16384xi32, #tpu.memory_space<hbm>> -> memref<512xi32, #tpu.memory_space<hbm>>
      %dma_wait3A_22 = tpu.memref_slice %arg3[%mul3A_4] : memref<16384xi32, #tpu.memory_space<hbm>> -> memref<512xi32, #tpu.memory_space<hbm>>
      tpu.wait_dma2 semaphore(%run_scoped3A : memref<!tpu.dma_semaphore, #tpu.memory_space<semaphore_mem>>) src(%dma_wait3A_22 : memref<512xi32, #tpu.memory_space<hbm>>) dst(%arg5 : memref<512xi32, #tpu.memory_space<vmem>>)
      tpu.yield
    }) : () -> ()
    %scan3A = arith.constant 0 : i32
    %mul3A_5 = arith.constant 1 : i32
    %mul3A_6 = arith.muli %scan3A, %mul3A_5 : i32
    %add3A_7 = arith.constant 0 : i32
    %add3A_8 = arith.addi %add3A_7, %mul3A_6 : i32
    %mul3A_9 = arith.constant 512 : i32
    %mul3A_10 = arith.muli %add3A_8, %mul3A_9 : i32
    %dma_start3A = tpu.memref_slice %arg5[%mul3A_10] : memref<512xi32, #tpu.memory_space<vmem>> -> memref<512xi32, #tpu.memory_space<vmem>>
    %dma_start3A_11 = arith.constant 0 : i32
    %dma_start3A_12 = arith.constant 0 : i32
    %dma_start3A_13 = tpu.memref_slice %arg2[%dma_start3A_11, %dma_start3A_12] : memref<30522x128xf32, #tpu.memory_space<hbm>> -> memref<30522x128xf32, #tpu.memory_space<hbm>>
    tpu.enqueue_indirect_dma source(%dma_start3A_13 : memref<30522x128xf32, #tpu.memory_space<hbm>>) target(%arg6 : memref<512x128xf32, #tpu.memory_space<vmem>>) offsets(%dma_start3A : memref<512xi32, #tpu.memory_space<vmem>>) semaphore(%arg7 : memref<!tpu.dma_semaphore, #tpu.memory_space<semaphore_mem>>)
    %dma_wait3A = tpu.memref_slice %arg5[%mul3A_10] : memref<512xi32, #tpu.memory_space<vmem>> -> memref<512xi32, #tpu.memory_space<vmem>>
    %dma_wait3A_14 = arith.constant 0 : i32
    %dma_wait3A_15 = arith.constant 0 : i32
    %dma_wait3A_16 = tpu.memref_slice %arg2[%dma_wait3A_14, %dma_wait3A_15] : memref<30522x128xf32, #tpu.memory_space<hbm>> -> memref<30522x128xf32, #tpu.memory_space<hbm>>
    tpu.wait_indirect_dma semaphore(%arg7 : memref<!tpu.dma_semaphore, #tpu.memory_space<semaphore_mem>>) src(%dma_wait3A_16 : memref<30522x128xf32, #tpu.memory_space<hbm>>) dst(%arg6 : memref<512x128xf32, #tpu.memory_space<vmem>>)
    %add3A_17 = arith.addi %mul3A_2, %add3A_8 : i32
    "tpu.region"() ({
      %run_scoped3A = tpu.sem_alloc : memref<!tpu.dma_semaphore, #tpu.memory_space<semaphore_mem>>
      %dma_start3A_19 = arith.constant 0 : i32
      %dma_start3A_20 = arith.constant 0 : i32
      %dma_start3A_21 = tpu.memref_slice %arg4[%add3A_17, %dma_start3A_19, %dma_start3A_20] : memref<32x512x128xf32, #tpu.memory_space<hbm>> -> memref<1x512x128xf32, #tpu.memory_space<hbm>>
      %dma_start3A_22 = tpu.memref_squeeze %dma_start3A_21 : memref<1x512x128xf32, #tpu.memory_space<hbm>> -> memref<512x128xf32, #tpu.memory_space<hbm>>
      %dma_start3A_23 = arith.constant 0 : i32
      %dma_start3A_24 = arith.constant 0 : i32
      %dma_start3A_25 = tpu.memref_slice %arg4[%add3A_17, %dma_start3A_23, %dma_start3A_24] : memref<32x512x128xf32, #tpu.memory_space<hbm>> -> memref<1x512x128xf32, #tpu.memory_space<hbm>>
      %dma_start3A_26 = tpu.memref_squeeze %dma_start3A_25 : memref<1x512x128xf32, #tpu.memory_space<hbm>> -> memref<512x128xf32, #tpu.memory_space<hbm>>
      tpu.enqueue_dma source(%arg6 : memref<512x128xf32, #tpu.memory_space<vmem>>) target(%dma_start3A_26 : memref<512x128xf32, #tpu.memory_space<hbm>>) target_semaphore(%run_scoped3A : memref<!tpu.dma_semaphore, #tpu.memory_space<semaphore_mem>>)
      %dma_wait3A_27 = arith.constant 0 : i32
      %dma_wait3A_28 = arith.constant 0 : i32
      %dma_wait3A_29 = tpu.memref_slice %arg4[%add3A_17, %dma_wait3A_27, %dma_wait3A_28] : memref<32x512x128xf32, #tpu.memory_space<hbm>> -> memref<1x512x128xf32, #tpu.memory_space<hbm>>
      %dma_wait3A_30 = tpu.memref_squeeze %dma_wait3A_29 : memref<1x512x128xf32, #tpu.memory_space<hbm>> -> memref<512x128xf32, #tpu.memory_space<hbm>>
      %dma_wait3A_31 = arith.constant 0 : i32
      %dma_wait3A_32 = arith.constant 0 : i32
      %dma_wait3A_33 = tpu.memref_slice %arg4[%add3A_17, %dma_wait3A_31, %dma_wait3A_32] : memref<32x512x128xf32, #tpu.memory_space<hbm>> -> memref<1x512x128xf32, #tpu.memory_space<hbm>>
      %dma_wait3A_34 = tpu.memref_squeeze %dma_wait3A_33 : memref<1x512x128xf32, #tpu.memory_space<hbm>> -> memref<512x128xf32, #tpu.memory_space<hbm>>
      tpu.wait_dma2 semaphore(%run_scoped3A : memref<!tpu.dma_semaphore, #tpu.memory_space<semaphore_mem>>) src(%arg6 : memref<512x128xf32, #tpu.memory_space<vmem>>) dst(%dma_wait3A_34 : memref<512x128xf32, #tpu.memory_space<hbm>>)
      tpu.yield
    }) : () -> ()
    %scan3A_18 = arith.constant 1 : i32
    return
  }
}

module attributes {stable_mosaic.version = 14 : i64} {
  func.func @_tc_chunk_body(%arg0: i32, %arg1: memref<256x512x512xf32, #tpu.memory_space<any>>, %arg2: memref<8x512x128xf32, #tpu.memory_space<vmem>>, %arg3: memref<8x512xi32, #tpu.memory_space<vmem>>, %arg4: memref<384x512xf32, #tpu.memory_space<vmem>>, %arg5: memref<512x512xf32, #tpu.memory_space<vmem>>, %arg6: memref<1x512xf32, #tpu.memory_space<vmem>>, %arg7: memref<8x512x512xf32, #tpu.memory_space<vmem>>) attributes {dimension_semantics = [#tpu.dimension_semantics<arbitrary>], iteration_bounds = array<i64: 8>, scalar_prefetch = 0 : i64, scratch_operands = 0 : i64, tpu.core_type = #tpu.core_type<tc>, window_params = [{}, {transform_indices = @transform_1, window_bounds = array<i64: 8, 512, 128>}, {transform_indices = @transform_2, window_bounds = array<i64: 8, 512>}, {pipeline_mode = #tpu.pipeline_mode<synchronous>, transform_indices = @transform_3, window_bounds = array<i64: 384, 512>}, {pipeline_mode = #tpu.pipeline_mode<synchronous>, transform_indices = @transform_4, window_bounds = array<i64: 512, 512>}, {pipeline_mode = #tpu.pipeline_mode<synchronous>, transform_indices = @transform_5, window_bounds = array<i64: 1, 512>}, {transform_indices = @transform_6, window_bounds = array<i64: 8, 512, 512>}]} {
    %get3A = arith.constant 0 : index
    %get3A_0 = arith.constant 0 : index
    %get3A_1 = arith.constant 0 : index
    %get3A_2 = vector.load %arg2[%get3A, %get3A_0, %get3A_1] : memref<8x512x128xf32, #tpu.memory_space<vmem>>, vector<8x512x128xf32>
    %reshape3A = vector.shape_cast %get3A_2 : vector<8x512x128xf32> to vector<4096x128xf32>
    %broadcast_in_dim3A = arith.constant 0.000000e+00 : f32
    %broadcast_in_dim3A_3 = vector.broadcast %broadcast_in_dim3A : f32 to vector<1x128xf32>
    %slice3A = vector.extract_strided_slice %reshape3A {offsets = [1, 0], sizes = [4095, 128], strides = [1, 1]} : vector<4096x128xf32> to vector<4095x128xf32>
    %concatenate3A = tpu.concatenate %slice3A, %broadcast_in_dim3A_3 in 0 : vector<4095x128xf32>, vector<1x128xf32> -> vector<4096x128xf32>
    %slice3A_4 = vector.extract_strided_slice %reshape3A {offsets = [0, 0], sizes = [4095, 128], strides = [1, 1]} : vector<4096x128xf32> to vector<4095x128xf32>
    %concatenate3A_5 = tpu.concatenate %broadcast_in_dim3A_3, %slice3A_4 in 0 : vector<1x128xf32>, vector<4095x128xf32> -> vector<4096x128xf32>
    %iota3A = tpu.iota {dimensions = array<i32: 0>} : vector<4096x1xi32>
    %jit3A = arith.constant 512 : i32
    %eq3A = arith.constant 0 : i32
    %eq3A_6 = arith.cmpi eq, %jit3A, %eq3A : i32
    %jit3A_7 = arith.constant 1 : i32
    %select_n3A = arith.select %eq3A_6, %jit3A_7, %jit3A : i32
    %rem3A = vector.broadcast %select_n3A : i32 to vector<4096x1xi32>
    %rem3A_8 = arith.remsi %iota3A, %rem3A : vector<4096x1xi32>
    %ne3A = arith.constant 0 : i32
    %ne3A_9 = vector.broadcast %ne3A : i32 to vector<4096x1xi32>
    %ne3A_10 = arith.cmpi ne, %rem3A_8, %ne3A_9 : vector<4096x1xi32>
    %lt3A = arith.constant 0 : i32
    %lt3A_11 = vector.broadcast %lt3A : i32 to vector<4096x1xi32>
    %lt3A_12 = arith.cmpi slt, %rem3A_8, %lt3A_11 : vector<4096x1xi32>
    %lt3A_13 = arith.constant 0 : i32
    %lt3A_14 = arith.cmpi slt, %select_n3A, %lt3A_13 : i32
    %ne3A_15 = vector.broadcast %lt3A_14 : i1 to vector<4096x1xi1>
    %ne3A_16 = vector.broadcast %ne3A_15 : vector<4096x1xi1> to vector<4096x1xi1>
    %ne3A_17 = arith.xori %lt3A_12, %ne3A_16 : vector<4096x1xi1>
    %and3A = arith.andi %ne3A_17, %ne3A_10 : vector<4096x1xi1>
    %add3A = vector.broadcast %select_n3A : i32 to vector<4096x1xi32>
    %add3A_18 = arith.addi %rem3A_8, %add3A : vector<4096x1xi32>
    %select_n3A_19 = arith.select %and3A, %add3A_18, %rem3A_8 : vector<4096x1xi1>, vector<4096x1xi32>
    %eq3A_20 = arith.constant 511 : i32
    %eq3A_21 = vector.broadcast %eq3A_20 : i32 to vector<4096x1xi32>
    %eq3A_22 = arith.cmpi eq, %select_n3A_19, %eq3A_21 : vector<4096x1xi32>
    %jit3A_23 = arith.constant 0.000000e+00 : f32
    %broadcast_in_dim3A_24 = vector.shape_cast %eq3A_22 : vector<4096x1xi1> to vector<4096x1xi1>
    %broadcast_in_dim3A_25 = vector.broadcast %broadcast_in_dim3A_24 : vector<4096x1xi1> to vector<4096x128xi1>
    %broadcast_in_dim3A_26 = vector.broadcast %jit3A_23 : f32 to vector<4096x128xf32>
    %select_n3A_27 = arith.select %broadcast_in_dim3A_25, %broadcast_in_dim3A_26, %concatenate3A : vector<4096x128xi1>, vector<4096x128xf32>
    %eq3A_28 = arith.constant 0 : i32
    %eq3A_29 = vector.broadcast %eq3A_28 : i32 to vector<4096x1xi32>
    %eq3A_30 = arith.cmpi eq, %select_n3A_19, %eq3A_29 : vector<4096x1xi32>
    %jit3A_31 = arith.constant 0.000000e+00 : f32
    %broadcast_in_dim3A_32 = vector.shape_cast %eq3A_30 : vector<4096x1xi1> to vector<4096x1xi1>
    %broadcast_in_dim3A_33 = vector.broadcast %broadcast_in_dim3A_32 : vector<4096x1xi1> to vector<4096x128xi1>
    %broadcast_in_dim3A_34 = vector.broadcast %jit3A_31 : f32 to vector<4096x128xf32>
    %select_n3A_35 = arith.select %broadcast_in_dim3A_33, %broadcast_in_dim3A_34, %concatenate3A_5 : vector<4096x128xi1>, vector<4096x128xf32>
    %get3A_36 = arith.constant 128 : index
    %get3A_37 = arith.constant 0 : index
    %get3A_38 = vector.load %arg4[%get3A_36, %get3A_37] : memref<384x512xf32, #tpu.memory_space<vmem>>, vector<128x512xf32>
    %dot_general3A = arith.constant dense<0.000000e+00> : vector<4096x512xf32>
    %dot_general3A_39 = tpu.matmul %reshape3A, %get3A_38, %dot_general3A {dimension_numbers = #tpu.dot_dimension_numbers<[1], [0], [0], [1], [0, 0, 1, 1], [], []>, transpose_lhs_hint = false} : vector<4096x128xf32>, vector<128x512xf32>, vector<4096x512xf32> -> vector<4096x512xf32>
    %get3A_40 = arith.constant 0 : index
    %get3A_41 = arith.constant 0 : index
    %get3A_42 = vector.load %arg4[%get3A_40, %get3A_41] : memref<384x512xf32, #tpu.memory_space<vmem>>, vector<128x512xf32>
    %dot_general3A_43 = arith.constant dense<0.000000e+00> : vector<4096x512xf32>
    %dot_general3A_44 = tpu.matmul %select_n3A_27, %get3A_42, %dot_general3A_43 {dimension_numbers = #tpu.dot_dimension_numbers<[1], [0], [0], [1], [0, 0, 1, 1], [], []>, transpose_lhs_hint = false} : vector<4096x128xf32>, vector<128x512xf32>, vector<4096x512xf32> -> vector<4096x512xf32>
    %add3A_45 = arith.addf %dot_general3A_39, %dot_general3A_44 : vector<4096x512xf32>
    %get3A_46 = arith.constant 256 : index
    %get3A_47 = arith.constant 0 : index
    %get3A_48 = vector.load %arg4[%get3A_46, %get3A_47] : memref<384x512xf32, #tpu.memory_space<vmem>>, vector<128x512xf32>
    %dot_general3A_49 = arith.constant dense<0.000000e+00> : vector<4096x512xf32>
    %dot_general3A_50 = tpu.matmul %select_n3A_35, %get3A_48, %dot_general3A_49 {dimension_numbers = #tpu.dot_dimension_numbers<[1], [0], [0], [1], [0, 0, 1, 1], [], []>, transpose_lhs_hint = false} : vector<4096x128xf32>, vector<128x512xf32>, vector<4096x512xf32> -> vector<4096x512xf32>
    %add3A_51 = arith.addf %add3A_45, %dot_general3A_50 : vector<4096x512xf32>
    %reshape3A_52 = vector.shape_cast %add3A_51 : vector<4096x512xf32> to vector<8x512x512xf32>
    %get3A_53 = arith.constant 0 : index
    %get3A_54 = arith.constant 0 : index
    %get3A_55 = vector.load %arg5[%get3A_53, %get3A_54] : memref<512x512xf32, #tpu.memory_space<vmem>>, vector<512x512xf32>
    %broadcast_in_dim3A_56 = vector.shape_cast %get3A_55 : vector<512x512xf32> to vector<1x512x512xf32>
    %add3A_57 = vector.broadcast %broadcast_in_dim3A_56 : vector<1x512x512xf32> to vector<8x512x512xf32>
    %add3A_58 = arith.addf %reshape3A_52, %add3A_57 : vector<8x512x512xf32>
    %get3A_59 = arith.constant 0 : index
    %get3A_60 = arith.constant 0 : index
    %get3A_61 = vector.load %arg3[%get3A_59, %get3A_60] : memref<8x512xi32, #tpu.memory_space<vmem>>, vector<8x512xi32>
    %convert_element_type3A = arith.sitofp %get3A_61 : vector<8x512xi32> to vector<8x512xf32>
    %transpose3A = tpu.transpose %convert_element_type3A, [1, 0] : vector<8x512xf32> -> vector<512x8xf32>
    %get3A_62 = arith.constant 0 : index
    %get3A_63 = arith.constant 0 : index
    %get3A_64 = vector.load %arg6[%get3A_62, %get3A_63] : memref<1x512xf32, #tpu.memory_space<vmem>>, vector<1x512xf32>
    %slice3A_65 = vector.extract_strided_slice %add3A_58 {offsets = [0, 0, 0], sizes = [1, 512, 512], strides = [1, 1, 1]} : vector<8x512x512xf32> to vector<1x512x512xf32>
    %squeeze3A = vector.shape_cast %slice3A_65 : vector<1x512x512xf32> to vector<512x512xf32>
    %slice3A_66 = vector.extract_strided_slice %transpose3A {offsets = [0, 0], sizes = [512, 1], strides = [1, 1]} : vector<512x8xf32> to vector<512x1xf32>
    %mul3A = vector.broadcast %slice3A_66 : vector<512x1xf32> to vector<512x512xf32>
    %mul3A_67 = vector.broadcast %get3A_64 : vector<1x512xf32> to vector<512x512xf32>
    %mul3A_68 = arith.mulf %mul3A, %mul3A_67 : vector<512x512xf32>
    %add3A_69 = arith.addf %squeeze3A, %mul3A_68 : vector<512x512xf32>
    %swap3A = arith.constant 0 : index
    %swap3A_70 = arith.constant 0 : index
    %swap3A_71 = arith.constant 0 : index
    %swap3A_72 = vector.load %arg7[%swap3A, %swap3A_70, %swap3A_71] : memref<8x512x512xf32, #tpu.memory_space<vmem>>, vector<1x512x512xf32>
    %swap3A_73 = vector.shape_cast %swap3A_72 : vector<1x512x512xf32> to vector<512x512xf32>
    %swap3A_74 = vector.shape_cast %add3A_69 : vector<512x512xf32> to vector<1x512x512xf32>
    tpu.vector_store %arg7[%swap3A, %swap3A_70, %swap3A_71], %swap3A_74 {strides = array<i32>} : memref<8x512x512xf32, #tpu.memory_space<vmem>>, vector<1x512x512xf32>,
    %slice3A_75 = vector.extract_strided_slice %add3A_58 {offsets = [1, 0, 0], sizes = [1, 512, 512], strides = [1, 1, 1]} : vector<8x512x512xf32> to vector<1x512x512xf32>
    %squeeze3A_76 = vector.shape_cast %slice3A_75 : vector<1x512x512xf32> to vector<512x512xf32>
    %slice3A_77 = vector.extract_strided_slice %transpose3A {offsets = [0, 1], sizes = [512, 1], strides = [1, 1]} : vector<512x8xf32> to vector<512x1xf32>
    %mul3A_78 = vector.broadcast %slice3A_77 : vector<512x1xf32> to vector<512x512xf32>
    %mul3A_79 = vector.broadcast %get3A_64 : vector<1x512xf32> to vector<512x512xf32>
    %mul3A_80 = arith.mulf %mul3A_78, %mul3A_79 : vector<512x512xf32>
    %add3A_81 = arith.addf %squeeze3A_76, %mul3A_80 : vector<512x512xf32>
    %swap3A_82 = arith.constant 1 : index
    %swap3A_83 = arith.constant 0 : index
    %swap3A_84 = arith.constant 0 : index
    %swap3A_85 = vector.load %arg7[%swap3A_82, %swap3A_83, %swap3A_84] : memref<8x512x512xf32, #tpu.memory_space<vmem>>, vector<1x512x512xf32>
    %swap3A_86 = vector.shape_cast %swap3A_85 : vector<1x512x512xf32> to vector<512x512xf32>
    %swap3A_87 = vector.shape_cast %add3A_81 : vector<512x512xf32> to vector<1x512x512xf32>
    tpu.vector_store %arg7[%swap3A_82, %swap3A_83, %swap3A_84], %swap3A_87 {strides = array<i32>} : memref<8x512x512xf32, #tpu.memory_space<vmem>>, vector<1x512x512xf32>,
    %slice3A_88 = vector.extract_strided_slice %add3A_58 {offsets = [2, 0, 0], sizes = [1, 512, 512], strides = [1, 1, 1]} : vector<8x512x512xf32> to vector<1x512x512xf32>
    %squeeze3A_89 = vector.shape_cast %slice3A_88 : vector<1x512x512xf32> to vector<512x512xf32>
    %slice3A_90 = vector.extract_strided_slice %transpose3A {offsets = [0, 2], sizes = [512, 1], strides = [1, 1]} : vector<512x8xf32> to vector<512x1xf32>
    %mul3A_91 = vector.broadcast %slice3A_90 : vector<512x1xf32> to vector<512x512xf32>
    %mul3A_92 = vector.broadcast %get3A_64 : vector<1x512xf32> to vector<512x512xf32>
    %mul3A_93 = arith.mulf %mul3A_91, %mul3A_92 : vector<512x512xf32>
    %add3A_94 = arith.addf %squeeze3A_89, %mul3A_93 : vector<512x512xf32>
    %swap3A_95 = arith.constant 2 : index
    %swap3A_96 = arith.constant 0 : index
    %swap3A_97 = arith.constant 0 : index
    %swap3A_98 = vector.load %arg7[%swap3A_95, %swap3A_96, %swap3A_97] : memref<8x512x512xf32, #tpu.memory_space<vmem>>, vector<1x512x512xf32>
    %swap3A_99 = vector.shape_cast %swap3A_98 : vector<1x512x512xf32> to vector<512x512xf32>
    %swap3A_100 = vector.shape_cast %add3A_94 : vector<512x512xf32> to vector<1x512x512xf32>
    tpu.vector_store %arg7[%swap3A_95, %swap3A_96, %swap3A_97], %swap3A_100 {strides = array<i32>} : memref<8x512x512xf32, #tpu.memory_space<vmem>>, vector<1x512x512xf32>,
    %slice3A_101 = vector.extract_strided_slice %add3A_58 {offsets = [3, 0, 0], sizes = [1, 512, 512], strides = [1, 1, 1]} : vector<8x512x512xf32> to vector<1x512x512xf32>
    %squeeze3A_102 = vector.shape_cast %slice3A_101 : vector<1x512x512xf32> to vector<512x512xf32>
    %slice3A_103 = vector.extract_strided_slice %transpose3A {offsets = [0, 3], sizes = [512, 1], strides = [1, 1]} : vector<512x8xf32> to vector<512x1xf32>
    %mul3A_104 = vector.broadcast %slice3A_103 : vector<512x1xf32> to vector<512x512xf32>
    %mul3A_105 = vector.broadcast %get3A_64 : vector<1x512xf32> to vector<512x512xf32>
    %mul3A_106 = arith.mulf %mul3A_104, %mul3A_105 : vector<512x512xf32>
    %add3A_107 = arith.addf %squeeze3A_102, %mul3A_106 : vector<512x512xf32>
    %swap3A_108 = arith.constant 3 : index
    %swap3A_109 = arith.constant 0 : index
    %swap3A_110 = arith.constant 0 : index
    %swap3A_111 = vector.load %arg7[%swap3A_108, %swap3A_109, %swap3A_110] : memref<8x512x512xf32, #tpu.memory_space<vmem>>, vector<1x512x512xf32>
    %swap3A_112 = vector.shape_cast %swap3A_111 : vector<1x512x512xf32> to vector<512x512xf32>
    %swap3A_113 = vector.shape_cast %add3A_107 : vector<512x512xf32> to vector<1x512x512xf32>
    tpu.vector_store %arg7[%swap3A_108, %swap3A_109, %swap3A_110], %swap3A_113 {strides = array<i32>} : memref<8x512x512xf32, #tpu.memory_space<vmem>>, vector<1x512x512xf32>,
    %slice3A_114 = vector.extract_strided_slice %add3A_58 {offsets = [4, 0, 0], sizes = [1, 512, 512], strides = [1, 1, 1]} : vector<8x512x512xf32> to vector<1x512x512xf32>
    %squeeze3A_115 = vector.shape_cast %slice3A_114 : vector<1x512x512xf32> to vector<512x512xf32>
    %slice3A_116 = vector.extract_strided_slice %transpose3A {offsets = [0, 4], sizes = [512, 1], strides = [1, 1]} : vector<512x8xf32> to vector<512x1xf32>
    %mul3A_117 = vector.broadcast %slice3A_116 : vector<512x1xf32> to vector<512x512xf32>
    %mul3A_118 = vector.broadcast %get3A_64 : vector<1x512xf32> to vector<512x512xf32>
    %mul3A_119 = arith.mulf %mul3A_117, %mul3A_118 : vector<512x512xf32>
    %add3A_120 = arith.addf %squeeze3A_115, %mul3A_119 : vector<512x512xf32>
    %swap3A_121 = arith.constant 4 : index
    %swap3A_122 = arith.constant 0 : index
    %swap3A_123 = arith.constant 0 : index
    %swap3A_124 = vector.load %arg7[%swap3A_121, %swap3A_122, %swap3A_123] : memref<8x512x512xf32, #tpu.memory_space<vmem>>, vector<1x512x512xf32>
    %swap3A_125 = vector.shape_cast %swap3A_124 : vector<1x512x512xf32> to vector<512x512xf32>
    %swap3A_126 = vector.shape_cast %add3A_120 : vector<512x512xf32> to vector<1x512x512xf32>
    tpu.vector_store %arg7[%swap3A_121, %swap3A_122, %swap3A_123], %swap3A_126 {strides = array<i32>} : memref<8x512x512xf32, #tpu.memory_space<vmem>>, vector<1x512x512xf32>,
    %slice3A_127 = vector.extract_strided_slice %add3A_58 {offsets = [5, 0, 0], sizes = [1, 512, 512], strides = [1, 1, 1]} : vector<8x512x512xf32> to vector<1x512x512xf32>
    %squeeze3A_128 = vector.shape_cast %slice3A_127 : vector<1x512x512xf32> to vector<512x512xf32>
    %slice3A_129 = vector.extract_strided_slice %transpose3A {offsets = [0, 5], sizes = [512, 1], strides = [1, 1]} : vector<512x8xf32> to vector<512x1xf32>
    %mul3A_130 = vector.broadcast %slice3A_129 : vector<512x1xf32> to vector<512x512xf32>
    %mul3A_131 = vector.broadcast %get3A_64 : vector<1x512xf32> to vector<512x512xf32>
    %mul3A_132 = arith.mulf %mul3A_130, %mul3A_131 : vector<512x512xf32>
    %add3A_133 = arith.addf %squeeze3A_128, %mul3A_132 : vector<512x512xf32>
    %swap3A_134 = arith.constant 5 : index
    %swap3A_135 = arith.constant 0 : index
    %swap3A_136 = arith.constant 0 : index
    %swap3A_137 = vector.load %arg7[%swap3A_134, %swap3A_135, %swap3A_136] : memref<8x512x512xf32, #tpu.memory_space<vmem>>, vector<1x512x512xf32>
    %swap3A_138 = vector.shape_cast %swap3A_137 : vector<1x512x512xf32> to vector<512x512xf32>
    %swap3A_139 = vector.shape_cast %add3A_133 : vector<512x512xf32> to vector<1x512x512xf32>
    tpu.vector_store %arg7[%swap3A_134, %swap3A_135, %swap3A_136], %swap3A_139 {strides = array<i32>} : memref<8x512x512xf32, #tpu.memory_space<vmem>>, vector<1x512x512xf32>,
    %slice3A_140 = vector.extract_strided_slice %add3A_58 {offsets = [6, 0, 0], sizes = [1, 512, 512], strides = [1, 1, 1]} : vector<8x512x512xf32> to vector<1x512x512xf32>
    %squeeze3A_141 = vector.shape_cast %slice3A_140 : vector<1x512x512xf32> to vector<512x512xf32>
    %slice3A_142 = vector.extract_strided_slice %transpose3A {offsets = [0, 6], sizes = [512, 1], strides = [1, 1]} : vector<512x8xf32> to vector<512x1xf32>
    %mul3A_143 = vector.broadcast %slice3A_142 : vector<512x1xf32> to vector<512x512xf32>
    %mul3A_144 = vector.broadcast %get3A_64 : vector<1x512xf32> to vector<512x512xf32>
    %mul3A_145 = arith.mulf %mul3A_143, %mul3A_144 : vector<512x512xf32>
    %add3A_146 = arith.addf %squeeze3A_141, %mul3A_145 : vector<512x512xf32>
    %swap3A_147 = arith.constant 6 : index
    %swap3A_148 = arith.constant 0 : index
    %swap3A_149 = arith.constant 0 : index
    %swap3A_150 = vector.load %arg7[%swap3A_147, %swap3A_148, %swap3A_149] : memref<8x512x512xf32, #tpu.memory_space<vmem>>, vector<1x512x512xf32>
    %swap3A_151 = vector.shape_cast %swap3A_150 : vector<1x512x512xf32> to vector<512x512xf32>
    %swap3A_152 = vector.shape_cast %add3A_146 : vector<512x512xf32> to vector<1x512x512xf32>
    tpu.vector_store %arg7[%swap3A_147, %swap3A_148, %swap3A_149], %swap3A_152 {strides = array<i32>} : memref<8x512x512xf32, #tpu.memory_space<vmem>>, vector<1x512x512xf32>,
    %slice3A_153 = vector.extract_strided_slice %add3A_58 {offsets = [7, 0, 0], sizes = [1, 512, 512], strides = [1, 1, 1]} : vector<8x512x512xf32> to vector<1x512x512xf32>
    %squeeze3A_154 = vector.shape_cast %slice3A_153 : vector<1x512x512xf32> to vector<512x512xf32>
    %slice3A_155 = vector.extract_strided_slice %transpose3A {offsets = [0, 7], sizes = [512, 1], strides = [1, 1]} : vector<512x8xf32> to vector<512x1xf32>
    %mul3A_156 = vector.broadcast %slice3A_155 : vector<512x1xf32> to vector<512x512xf32>
    %mul3A_157 = vector.broadcast %get3A_64 : vector<1x512xf32> to vector<512x512xf32>
    %mul3A_158 = arith.mulf %mul3A_156, %mul3A_157 : vector<512x512xf32>
    %add3A_159 = arith.addf %squeeze3A_154, %mul3A_158 : vector<512x512xf32>
    %swap3A_160 = arith.constant 7 : index
    %swap3A_161 = arith.constant 0 : index
    %swap3A_162 = arith.constant 0 : index
    %swap3A_163 = vector.load %arg7[%swap3A_160, %swap3A_161, %swap3A_162] : memref<8x512x512xf32, #tpu.memory_space<vmem>>, vector<1x512x512xf32>
    %swap3A_164 = vector.shape_cast %swap3A_163 : vector<1x512x512xf32> to vector<512x512xf32>
    %swap3A_165 = vector.shape_cast %add3A_159 : vector<512x512xf32> to vector<1x512x512xf32>
    tpu.vector_store %arg7[%swap3A_160, %swap3A_161, %swap3A_162], %swap3A_165 {strides = array<i32>} : memref<8x512x512xf32, #tpu.memory_space<vmem>>, vector<1x512x512xf32>,
    return
  }
  func.func @transform_1(%arg0: i32) -> (i32, i32, i32) {
    %c0_i32 = arith.constant 0 : i32
    %c0_i32_0 = arith.constant 0 : i32
    %c0_i32_1 = arith.constant 0 : i32
    return %arg0, %c0_i32, %c0_i32_0 : i32, i32, i32
  }
  func.func @transform_2(%arg0: i32) -> (i32, i32) {
    %add3A = arith.constant 8 : i32
    %add3A_0 = arith.addi %add3A, %arg0 : i32
    %c0_i32 = arith.constant 0 : i32
    %c0_i32_1 = arith.constant 0 : i32
    return %add3A_0, %c0_i32 : i32, i32
  }
  func.func @transform_3(%arg0: i32) -> (i32, i32) {
    %c0_i32 = arith.constant 0 : i32
    %c0_i32_0 = arith.constant 0 : i32
    %c0_i32_1 = arith.constant 0 : i32
    return %c0_i32, %c0_i32_0 : i32, i32
  }
  func.func @transform_4(%arg0: i32) -> (i32, i32) {
    %c0_i32 = arith.constant 0 : i32
    %c0_i32_0 = arith.constant 0 : i32
    %c0_i32_1 = arith.constant 0 : i32
    return %c0_i32, %c0_i32_0 : i32, i32
  }
  func.func @transform_5(%arg0: i32) -> (i32, i32) {
    %c0_i32 = arith.constant 0 : i32
    %c0_i32_0 = arith.constant 0 : i32
    %c0_i32_1 = arith.constant 0 : i32
    return %c0_i32, %c0_i32_0 : i32, i32
  }
  func.func @transform_6(%arg0: i32) -> (i32, i32, i32) {
    %add3A = arith.constant 8 : i32
    %add3A_0 = arith.addi %add3A, %arg0 : i32
    %c0_i32 = arith.constant 0 : i32
    %c0_i32_1 = arith.constant 0 : i32
    %c0_i32_2 = arith.constant 0 : i32
    return %add3A_0, %c0_i32, %c0_i32_1 : i32, i32, i32
  }
}

module attributes {stable_mosaic.version = 14 : i64} {
  func.func @_tc_body(%arg0: i32, %arg1: memref<8x512x128xf32, #tpu.memory_space<vmem>>, %arg2: memref<8x512xi32, #tpu.memory_space<vmem>>, %arg3: memref<384x512xf32, #tpu.memory_space<vmem>>, %arg4: memref<512x512xf32, #tpu.memory_space<vmem>>, %arg5: memref<1x512xf32, #tpu.memory_space<vmem>>, %arg6: memref<8x512x512xf32, #tpu.memory_space<vmem>>) attributes {dimension_semantics = [#tpu.dimension_semantics<arbitrary>], iteration_bounds = array<i64: 4>, scalar_prefetch = 0 : i64, scratch_operands = 0 : i64, tpu.core_type = #tpu.core_type<tc>, window_params = [{transform_indices = @transform_0, window_bounds = array<i64: 8, 512, 128>}, {transform_indices = @transform_1, window_bounds = array<i64: 8, 512>}, {pipeline_mode = #tpu.pipeline_mode<synchronous>, transform_indices = @transform_2, window_bounds = array<i64: 384, 512>}, {pipeline_mode = #tpu.pipeline_mode<synchronous>, transform_indices = @transform_3, window_bounds = array<i64: 512, 512>}, {pipeline_mode = #tpu.pipeline_mode<synchronous>, transform_indices = @transform_4, window_bounds = array<i64: 1, 512>}, {transform_indices = @transform_5, window_bounds = array<i64: 8, 512, 512>}]} {
    %get3A = arith.constant 0 : index
    %get3A_0 = arith.constant 0 : index
    %get3A_1 = arith.constant 0 : index
    %get3A_2 = vector.load %arg1[%get3A, %get3A_0, %get3A_1] : memref<8x512x128xf32, #tpu.memory_space<vmem>>, vector<8x512x128xf32>
    %reshape3A = vector.shape_cast %get3A_2 : vector<8x512x128xf32> to vector<4096x128xf32>
    %broadcast_in_dim3A = arith.constant 0.000000e+00 : f32
    %broadcast_in_dim3A_3 = vector.broadcast %broadcast_in_dim3A : f32 to vector<1x128xf32>
    %slice3A = vector.extract_strided_slice %reshape3A {offsets = [1, 0], sizes = [4095, 128], strides = [1, 1]} : vector<4096x128xf32> to vector<4095x128xf32>
    %concatenate3A = tpu.concatenate %slice3A, %broadcast_in_dim3A_3 in 0 : vector<4095x128xf32>, vector<1x128xf32> -> vector<4096x128xf32>
    %slice3A_4 = vector.extract_strided_slice %reshape3A {offsets = [0, 0], sizes = [4095, 128], strides = [1, 1]} : vector<4096x128xf32> to vector<4095x128xf32>
    %concatenate3A_5 = tpu.concatenate %broadcast_in_dim3A_3, %slice3A_4 in 0 : vector<1x128xf32>, vector<4095x128xf32> -> vector<4096x128xf32>
    %iota3A = tpu.iota {dimensions = array<i32: 0>} : vector<4096x1xi32>
    %jit3A = arith.constant 512 : i32
    %eq3A = arith.constant 0 : i32
    %eq3A_6 = arith.cmpi eq, %jit3A, %eq3A : i32
    %jit3A_7 = arith.constant 1 : i32
    %select_n3A = arith.select %eq3A_6, %jit3A_7, %jit3A : i32
    %rem3A = vector.broadcast %select_n3A : i32 to vector<4096x1xi32>
    %rem3A_8 = arith.remsi %iota3A, %rem3A : vector<4096x1xi32>
    %ne3A = arith.constant 0 : i32
    %ne3A_9 = vector.broadcast %ne3A : i32 to vector<4096x1xi32>
    %ne3A_10 = arith.cmpi ne, %rem3A_8, %ne3A_9 : vector<4096x1xi32>
    %lt3A = arith.constant 0 : i32
    %lt3A_11 = vector.broadcast %lt3A : i32 to vector<4096x1xi32>
    %lt3A_12 = arith.cmpi slt, %rem3A_8, %lt3A_11 : vector<4096x1xi32>
    %lt3A_13 = arith.constant 0 : i32
    %lt3A_14 = arith.cmpi slt, %select_n3A, %lt3A_13 : i32
    %ne3A_15 = vector.broadcast %lt3A_14 : i1 to vector<4096x1xi1>
    %ne3A_16 = vector.broadcast %ne3A_15 : vector<4096x1xi1> to vector<4096x1xi1>
    %ne3A_17 = arith.xori %lt3A_12, %ne3A_16 : vector<4096x1xi1>
    %and3A = arith.andi %ne3A_17, %ne3A_10 : vector<4096x1xi1>
    %add3A = vector.broadcast %select_n3A : i32 to vector<4096x1xi32>
    %add3A_18 = arith.addi %rem3A_8, %add3A : vector<4096x1xi32>
    %select_n3A_19 = arith.select %and3A, %add3A_18, %rem3A_8 : vector<4096x1xi1>, vector<4096x1xi32>
    %eq3A_20 = arith.constant 511 : i32
    %eq3A_21 = vector.broadcast %eq3A_20 : i32 to vector<4096x1xi32>
    %eq3A_22 = arith.cmpi eq, %select_n3A_19, %eq3A_21 : vector<4096x1xi32>
    %jit3A_23 = arith.constant 0.000000e+00 : f32
    %broadcast_in_dim3A_24 = vector.shape_cast %eq3A_22 : vector<4096x1xi1> to vector<4096x1xi1>
    %broadcast_in_dim3A_25 = vector.broadcast %broadcast_in_dim3A_24 : vector<4096x1xi1> to vector<4096x128xi1>
    %broadcast_in_dim3A_26 = vector.broadcast %jit3A_23 : f32 to vector<4096x128xf32>
    %select_n3A_27 = arith.select %broadcast_in_dim3A_25, %broadcast_in_dim3A_26, %concatenate3A : vector<4096x128xi1>, vector<4096x128xf32>
    %eq3A_28 = arith.constant 0 : i32
    %eq3A_29 = vector.broadcast %eq3A_28 : i32 to vector<4096x1xi32>
    %eq3A_30 = arith.cmpi eq, %select_n3A_19, %eq3A_29 : vector<4096x1xi32>
    %jit3A_31 = arith.constant 0.000000e+00 : f32
    %broadcast_in_dim3A_32 = vector.shape_cast %eq3A_30 : vector<4096x1xi1> to vector<4096x1xi1>
    %broadcast_in_dim3A_33 = vector.broadcast %broadcast_in_dim3A_32 : vector<4096x1xi1> to vector<4096x128xi1>
    %broadcast_in_dim3A_34 = vector.broadcast %jit3A_31 : f32 to vector<4096x128xf32>
    %select_n3A_35 = arith.select %broadcast_in_dim3A_33, %broadcast_in_dim3A_34, %concatenate3A_5 : vector<4096x128xi1>, vector<4096x128xf32>
    %get3A_36 = arith.constant 128 : index
    %get3A_37 = arith.constant 0 : index
    %get3A_38 = vector.load %arg3[%get3A_36, %get3A_37] : memref<384x512xf32, #tpu.memory_space<vmem>>, vector<128x512xf32>
    %dot_general3A = arith.constant dense<0.000000e+00> : vector<4096x512xf32>
    %dot_general3A_39 = tpu.matmul %reshape3A, %get3A_38, %dot_general3A {dimension_numbers = #tpu.dot_dimension_numbers<[1], [0], [0], [1], [0, 0, 1, 1], [], []>, transpose_lhs_hint = false} : vector<4096x128xf32>, vector<128x512xf32>, vector<4096x512xf32> -> vector<4096x512xf32>
    %get3A_40 = arith.constant 0 : index
    %get3A_41 = arith.constant 0 : index
    %get3A_42 = vector.load %arg3[%get3A_40, %get3A_41] : memref<384x512xf32, #tpu.memory_space<vmem>>, vector<128x512xf32>
    %dot_general3A_43 = arith.constant dense<0.000000e+00> : vector<4096x512xf32>
    %dot_general3A_44 = tpu.matmul %select_n3A_27, %get3A_42, %dot_general3A_43 {dimension_numbers = #tpu.dot_dimension_numbers<[1], [0], [0], [1], [0, 0, 1, 1], [], []>, transpose_lhs_hint = false} : vector<4096x128xf32>, vector<128x512xf32>, vector<4096x512xf32> -> vector<4096x512xf32>
    %add3A_45 = arith.addf %dot_general3A_39, %dot_general3A_44 : vector<4096x512xf32>
    %get3A_46 = arith.constant 256 : index
    %get3A_47 = arith.constant 0 : index
    %get3A_48 = vector.load %arg3[%get3A_46, %get3A_47] : memref<384x512xf32, #tpu.memory_space<vmem>>, vector<128x512xf32>
    %dot_general3A_49 = arith.constant dense<0.000000e+00> : vector<4096x512xf32>
    %dot_general3A_50 = tpu.matmul %select_n3A_35, %get3A_48, %dot_general3A_49 {dimension_numbers = #tpu.dot_dimension_numbers<[1], [0], [0], [1], [0, 0, 1, 1], [], []>, transpose_lhs_hint = false} : vector<4096x128xf32>, vector<128x512xf32>, vector<4096x512xf32> -> vector<4096x512xf32>
    %add3A_51 = arith.addf %add3A_45, %dot_general3A_50 : vector<4096x512xf32>
    %reshape3A_52 = vector.shape_cast %add3A_51 : vector<4096x512xf32> to vector<8x512x512xf32>
    %get3A_53 = arith.constant 0 : index
    %get3A_54 = arith.constant 0 : index
    %get3A_55 = vector.load %arg4[%get3A_53, %get3A_54] : memref<512x512xf32, #tpu.memory_space<vmem>>, vector<512x512xf32>
    %broadcast_in_dim3A_56 = vector.shape_cast %get3A_55 : vector<512x512xf32> to vector<1x512x512xf32>
    %add3A_57 = vector.broadcast %broadcast_in_dim3A_56 : vector<1x512x512xf32> to vector<8x512x512xf32>
    %add3A_58 = arith.addf %reshape3A_52, %add3A_57 : vector<8x512x512xf32>
    %get3A_59 = arith.constant 0 : index
    %get3A_60 = arith.constant 0 : index
    %get3A_61 = vector.load %arg2[%get3A_59, %get3A_60] : memref<8x512xi32, #tpu.memory_space<vmem>>, vector<8x512xi32>
    %convert_element_type3A = arith.sitofp %get3A_61 : vector<8x512xi32> to vector<8x512xf32>
    %transpose3A = tpu.transpose %convert_element_type3A, [1, 0] : vector<8x512xf32> -> vector<512x8xf32>
    %get3A_62 = arith.constant 0 : index
    %get3A_63 = arith.constant 0 : index
    %get3A_64 = vector.load %arg5[%get3A_62, %get3A_63] : memref<1x512xf32, #tpu.memory_space<vmem>>, vector<1x512xf32>
    %slice3A_65 = vector.extract_strided_slice %add3A_58 {offsets = [0, 0, 0], sizes = [1, 512, 512], strides = [1, 1, 1]} : vector<8x512x512xf32> to vector<1x512x512xf32>
    %squeeze3A = vector.shape_cast %slice3A_65 : vector<1x512x512xf32> to vector<512x512xf32>
    %slice3A_66 = vector.extract_strided_slice %transpose3A {offsets = [0, 0], sizes = [512, 1], strides = [1, 1]} : vector<512x8xf32> to vector<512x1xf32>
    %mul3A = vector.broadcast %slice3A_66 : vector<512x1xf32> to vector<512x512xf32>
    %mul3A_67 = vector.broadcast %get3A_64 : vector<1x512xf32> to vector<512x512xf32>
    %mul3A_68 = arith.mulf %mul3A, %mul3A_67 : vector<512x512xf32>
    %add3A_69 = arith.addf %squeeze3A, %mul3A_68 : vector<512x512xf32>
    %swap3A = arith.constant 0 : index
    %swap3A_70 = arith.constant 0 : index
    %swap3A_71 = arith.constant 0 : index
    %swap3A_72 = vector.load %arg6[%swap3A, %swap3A_70, %swap3A_71] : memref<8x512x512xf32, #tpu.memory_space<vmem>>, vector<1x512x512xf32>
    %swap3A_73 = vector.shape_cast %swap3A_72 : vector<1x512x512xf32> to vector<512x512xf32>
    %swap3A_74 = vector.shape_cast %add3A_69 : vector<512x512xf32> to vector<1x512x512xf32>
    tpu.vector_store %arg6[%swap3A, %swap3A_70, %swap3A_71], %swap3A_74 {strides = array<i32>} : memref<8x512x512xf32, #tpu.memory_space<vmem>>, vector<1x512x512xf32>,
    %slice3A_75 = vector.extract_strided_slice %add3A_58 {offsets = [1, 0, 0], sizes = [1, 512, 512], strides = [1, 1, 1]} : vector<8x512x512xf32> to vector<1x512x512xf32>
    %squeeze3A_76 = vector.shape_cast %slice3A_75 : vector<1x512x512xf32> to vector<512x512xf32>
    %slice3A_77 = vector.extract_strided_slice %transpose3A {offsets = [0, 1], sizes = [512, 1], strides = [1, 1]} : vector<512x8xf32> to vector<512x1xf32>
    %mul3A_78 = vector.broadcast %slice3A_77 : vector<512x1xf32> to vector<512x512xf32>
    %mul3A_79 = vector.broadcast %get3A_64 : vector<1x512xf32> to vector<512x512xf32>
    %mul3A_80 = arith.mulf %mul3A_78, %mul3A_79 : vector<512x512xf32>
    %add3A_81 = arith.addf %squeeze3A_76, %mul3A_80 : vector<512x512xf32>
    %swap3A_82 = arith.constant 1 : index
    %swap3A_83 = arith.constant 0 : index
    %swap3A_84 = arith.constant 0 : index
    %swap3A_85 = vector.load %arg6[%swap3A_82, %swap3A_83, %swap3A_84] : memref<8x512x512xf32, #tpu.memory_space<vmem>>, vector<1x512x512xf32>
    %swap3A_86 = vector.shape_cast %swap3A_85 : vector<1x512x512xf32> to vector<512x512xf32>
    %swap3A_87 = vector.shape_cast %add3A_81 : vector<512x512xf32> to vector<1x512x512xf32>
    tpu.vector_store %arg6[%swap3A_82, %swap3A_83, %swap3A_84], %swap3A_87 {strides = array<i32>} : memref<8x512x512xf32, #tpu.memory_space<vmem>>, vector<1x512x512xf32>,
    %slice3A_88 = vector.extract_strided_slice %add3A_58 {offsets = [2, 0, 0], sizes = [1, 512, 512], strides = [1, 1, 1]} : vector<8x512x512xf32> to vector<1x512x512xf32>
    %squeeze3A_89 = vector.shape_cast %slice3A_88 : vector<1x512x512xf32> to vector<512x512xf32>
    %slice3A_90 = vector.extract_strided_slice %transpose3A {offsets = [0, 2], sizes = [512, 1], strides = [1, 1]} : vector<512x8xf32> to vector<512x1xf32>
    %mul3A_91 = vector.broadcast %slice3A_90 : vector<512x1xf32> to vector<512x512xf32>
    %mul3A_92 = vector.broadcast %get3A_64 : vector<1x512xf32> to vector<512x512xf32>
    %mul3A_93 = arith.mulf %mul3A_91, %mul3A_92 : vector<512x512xf32>
    %add3A_94 = arith.addf %squeeze3A_89, %mul3A_93 : vector<512x512xf32>
    %swap3A_95 = arith.constant 2 : index
    %swap3A_96 = arith.constant 0 : index
    %swap3A_97 = arith.constant 0 : index
    %swap3A_98 = vector.load %arg6[%swap3A_95, %swap3A_96, %swap3A_97] : memref<8x512x512xf32, #tpu.memory_space<vmem>>, vector<1x512x512xf32>
    %swap3A_99 = vector.shape_cast %swap3A_98 : vector<1x512x512xf32> to vector<512x512xf32>
    %swap3A_100 = vector.shape_cast %add3A_94 : vector<512x512xf32> to vector<1x512x512xf32>
    tpu.vector_store %arg6[%swap3A_95, %swap3A_96, %swap3A_97], %swap3A_100 {strides = array<i32>} : memref<8x512x512xf32, #tpu.memory_space<vmem>>, vector<1x512x512xf32>,
    %slice3A_101 = vector.extract_strided_slice %add3A_58 {offsets = [3, 0, 0], sizes = [1, 512, 512], strides = [1, 1, 1]} : vector<8x512x512xf32> to vector<1x512x512xf32>
    %squeeze3A_102 = vector.shape_cast %slice3A_101 : vector<1x512x512xf32> to vector<512x512xf32>
    %slice3A_103 = vector.extract_strided_slice %transpose3A {offsets = [0, 3], sizes = [512, 1], strides = [1, 1]} : vector<512x8xf32> to vector<512x1xf32>
    %mul3A_104 = vector.broadcast %slice3A_103 : vector<512x1xf32> to vector<512x512xf32>
    %mul3A_105 = vector.broadcast %get3A_64 : vector<1x512xf32> to vector<512x512xf32>
    %mul3A_106 = arith.mulf %mul3A_104, %mul3A_105 : vector<512x512xf32>
    %add3A_107 = arith.addf %squeeze3A_102, %mul3A_106 : vector<512x512xf32>
    %swap3A_108 = arith.constant 3 : index
    %swap3A_109 = arith.constant 0 : index
    %swap3A_110 = arith.constant 0 : index
    %swap3A_111 = vector.load %arg6[%swap3A_108, %swap3A_109, %swap3A_110] : memref<8x512x512xf32, #tpu.memory_space<vmem>>, vector<1x512x512xf32>
    %swap3A_112 = vector.shape_cast %swap3A_111 : vector<1x512x512xf32> to vector<512x512xf32>
    %swap3A_113 = vector.shape_cast %add3A_107 : vector<512x512xf32> to vector<1x512x512xf32>
    tpu.vector_store %arg6[%swap3A_108, %swap3A_109, %swap3A_110], %swap3A_113 {strides = array<i32>} : memref<8x512x512xf32, #tpu.memory_space<vmem>>, vector<1x512x512xf32>,
    %slice3A_114 = vector.extract_strided_slice %add3A_58 {offsets = [4, 0, 0], sizes = [1, 512, 512], strides = [1, 1, 1]} : vector<8x512x512xf32> to vector<1x512x512xf32>
    %squeeze3A_115 = vector.shape_cast %slice3A_114 : vector<1x512x512xf32> to vector<512x512xf32>
    %slice3A_116 = vector.extract_strided_slice %transpose3A {offsets = [0, 4], sizes = [512, 1], strides = [1, 1]} : vector<512x8xf32> to vector<512x1xf32>
    %mul3A_117 = vector.broadcast %slice3A_116 : vector<512x1xf32> to vector<512x512xf32>
    %mul3A_118 = vector.broadcast %get3A_64 : vector<1x512xf32> to vector<512x512xf32>
    %mul3A_119 = arith.mulf %mul3A_117, %mul3A_118 : vector<512x512xf32>
    %add3A_120 = arith.addf %squeeze3A_115, %mul3A_119 : vector<512x512xf32>
    %swap3A_121 = arith.constant 4 : index
    %swap3A_122 = arith.constant 0 : index
    %swap3A_123 = arith.constant 0 : index
    %swap3A_124 = vector.load %arg6[%swap3A_121, %swap3A_122, %swap3A_123] : memref<8x512x512xf32, #tpu.memory_space<vmem>>, vector<1x512x512xf32>
    %swap3A_125 = vector.shape_cast %swap3A_124 : vector<1x512x512xf32> to vector<512x512xf32>
    %swap3A_126 = vector.shape_cast %add3A_120 : vector<512x512xf32> to vector<1x512x512xf32>
    tpu.vector_store %arg6[%swap3A_121, %swap3A_122, %swap3A_123], %swap3A_126 {strides = array<i32>} : memref<8x512x512xf32, #tpu.memory_space<vmem>>, vector<1x512x512xf32>,
    %slice3A_127 = vector.extract_strided_slice %add3A_58 {offsets = [5, 0, 0], sizes = [1, 512, 512], strides = [1, 1, 1]} : vector<8x512x512xf32> to vector<1x512x512xf32>
    %squeeze3A_128 = vector.shape_cast %slice3A_127 : vector<1x512x512xf32> to vector<512x512xf32>
    %slice3A_129 = vector.extract_strided_slice %transpose3A {offsets = [0, 5], sizes = [512, 1], strides = [1, 1]} : vector<512x8xf32> to vector<512x1xf32>
    %mul3A_130 = vector.broadcast %slice3A_129 : vector<512x1xf32> to vector<512x512xf32>
    %mul3A_131 = vector.broadcast %get3A_64 : vector<1x512xf32> to vector<512x512xf32>
    %mul3A_132 = arith.mulf %mul3A_130, %mul3A_131 : vector<512x512xf32>
    %add3A_133 = arith.addf %squeeze3A_128, %mul3A_132 : vector<512x512xf32>
    %swap3A_134 = arith.constant 5 : index
    %swap3A_135 = arith.constant 0 : index
    %swap3A_136 = arith.constant 0 : index
    %swap3A_137 = vector.load %arg6[%swap3A_134, %swap3A_135, %swap3A_136] : memref<8x512x512xf32, #tpu.memory_space<vmem>>, vector<1x512x512xf32>
    %swap3A_138 = vector.shape_cast %swap3A_137 : vector<1x512x512xf32> to vector<512x512xf32>
    %swap3A_139 = vector.shape_cast %add3A_133 : vector<512x512xf32> to vector<1x512x512xf32>
    tpu.vector_store %arg6[%swap3A_134, %swap3A_135, %swap3A_136], %swap3A_139 {strides = array<i32>} : memref<8x512x512xf32, #tpu.memory_space<vmem>>, vector<1x512x512xf32>,
    %slice3A_140 = vector.extract_strided_slice %add3A_58 {offsets = [6, 0, 0], sizes = [1, 512, 512], strides = [1, 1, 1]} : vector<8x512x512xf32> to vector<1x512x512xf32>
    %squeeze3A_141 = vector.shape_cast %slice3A_140 : vector<1x512x512xf32> to vector<512x512xf32>
    %slice3A_142 = vector.extract_strided_slice %transpose3A {offsets = [0, 6], sizes = [512, 1], strides = [1, 1]} : vector<512x8xf32> to vector<512x1xf32>
    %mul3A_143 = vector.broadcast %slice3A_142 : vector<512x1xf32> to vector<512x512xf32>
    %mul3A_144 = vector.broadcast %get3A_64 : vector<1x512xf32> to vector<512x512xf32>
    %mul3A_145 = arith.mulf %mul3A_143, %mul3A_144 : vector<512x512xf32>
    %add3A_146 = arith.addf %squeeze3A_141, %mul3A_145 : vector<512x512xf32>
    %swap3A_147 = arith.constant 6 : index
    %swap3A_148 = arith.constant 0 : index
    %swap3A_149 = arith.constant 0 : index
    %swap3A_150 = vector.load %arg6[%swap3A_147, %swap3A_148, %swap3A_149] : memref<8x512x512xf32, #tpu.memory_space<vmem>>, vector<1x512x512xf32>
    %swap3A_151 = vector.shape_cast %swap3A_150 : vector<1x512x512xf32> to vector<512x512xf32>
    %swap3A_152 = vector.shape_cast %add3A_146 : vector<512x512xf32> to vector<1x512x512xf32>
    tpu.vector_store %arg6[%swap3A_147, %swap3A_148, %swap3A_149], %swap3A_152 {strides = array<i32>} : memref<8x512x512xf32, #tpu.memory_space<vmem>>, vector<1x512x512xf32>,
    %slice3A_153 = vector.extract_strided_slice %add3A_58 {offsets = [7, 0, 0], sizes = [1, 512, 512], strides = [1, 1, 1]} : vector<8x512x512xf32> to vector<1x512x512xf32>
    %squeeze3A_154 = vector.shape_cast %slice3A_153 : vector<1x512x512xf32> to vector<512x512xf32>
    %slice3A_155 = vector.extract_strided_slice %transpose3A {offsets = [0, 7], sizes = [512, 1], strides = [1, 1]} : vector<512x8xf32> to vector<512x1xf32>
    %mul3A_156 = vector.broadcast %slice3A_155 : vector<512x1xf32> to vector<512x512xf32>
    %mul3A_157 = vector.broadcast %get3A_64 : vector<1x512xf32> to vector<512x512xf32>
    %mul3A_158 = arith.mulf %mul3A_156, %mul3A_157 : vector<512x512xf32>
    %add3A_159 = arith.addf %squeeze3A_154, %mul3A_158 : vector<512x512xf32>
    %swap3A_160 = arith.constant 7 : index
    %swap3A_161 = arith.constant 0 : index
    %swap3A_162 = arith.constant 0 : index
    %swap3A_163 = vector.load %arg6[%swap3A_160, %swap3A_161, %swap3A_162] : memref<8x512x512xf32, #tpu.memory_space<vmem>>, vector<1x512x512xf32>
    %swap3A_164 = vector.shape_cast %swap3A_163 : vector<1x512x512xf32> to vector<512x512xf32>
    %swap3A_165 = vector.shape_cast %add3A_159 : vector<512x512xf32> to vector<1x512x512xf32>
    tpu.vector_store %arg6[%swap3A_160, %swap3A_161, %swap3A_162], %swap3A_165 {strides = array<i32>} : memref<8x512x512xf32, #tpu.memory_space<vmem>>, vector<1x512x512xf32>,
    return
  }
  func.func @transform_0(%arg0: i32) -> (i32, i32, i32) {
    %c0_i32 = arith.constant 0 : i32
    %c0_i32_0 = arith.constant 0 : i32
    %c0_i32_1 = arith.constant 0 : i32
    return %arg0, %c0_i32, %c0_i32_0 : i32, i32, i32
  }
  func.func @transform_1(%arg0: i32) -> (i32, i32) {
    %add3A = arith.constant 0 : i32
    %add3A_0 = arith.addi %add3A, %arg0 : i32
    %c0_i32 = arith.constant 0 : i32
    %c0_i32_1 = arith.constant 0 : i32
    return %add3A_0, %c0_i32 : i32, i32
  }
  func.func @transform_2(%arg0: i32) -> (i32, i32) {
    %c0_i32 = arith.constant 0 : i32
    %c0_i32_0 = arith.constant 0 : i32
    %c0_i32_1 = arith.constant 0 : i32
    return %c0_i32, %c0_i32_0 : i32, i32
  }
  func.func @transform_3(%arg0: i32) -> (i32, i32) {
    %c0_i32 = arith.constant 0 : i32
    %c0_i32_0 = arith.constant 0 : i32
    %c0_i32_1 = arith.constant 0 : i32
    return %c0_i32, %c0_i32_0 : i32, i32
  }
  func.func @transform_4(%arg0: i32) -> (i32, i32) {
    %c0_i32 = arith.constant 0 : i32
    %c0_i32_0 = arith.constant 0 : i32
    %c0_i32_1 = arith.constant 0 : i32
    return %c0_i32, %c0_i32_0 : i32, i32
  }
  func.func @transform_5(%arg0: i32) -> (i32, i32, i32) {
    %add3A = arith.constant 0 : i32
    %add3A_0 = arith.addi %add3A, %arg0 : i32
    %c0_i32 = arith.constant 0 : i32
    %c0_i32_1 = arith.constant 0 : i32
    %c0_i32_2 = arith.constant 0 : i32
    return %add3A_0, %c0_i32, %c0_i32_1 : i32, i32, i32
  }
}

module attributes {stable_mosaic.version = 14 : i64} {
  func.func @_tc_chunk_body(%arg0: i32, %arg1: memref<256x512x512xf32, #tpu.memory_space<any>>, %arg2: memref<8x512x128xf32, #tpu.memory_space<vmem>>, %arg3: memref<8x512xi32, #tpu.memory_space<vmem>>, %arg4: memref<384x512xf32, #tpu.memory_space<vmem>>, %arg5: memref<512x512xf32, #tpu.memory_space<vmem>>, %arg6: memref<1x512xf32, #tpu.memory_space<vmem>>, %arg7: memref<8x512x512xf32, #tpu.memory_space<vmem>>) attributes {dimension_semantics = [#tpu.dimension_semantics<arbitrary>], iteration_bounds = array<i64: 4>, scalar_prefetch = 0 : i64, scratch_operands = 0 : i64, tpu.core_type = #tpu.core_type<tc>, window_params = [{}, {transform_indices = @transform_1, window_bounds = array<i64: 8, 512, 128>}, {transform_indices = @transform_2, window_bounds = array<i64: 8, 512>}, {pipeline_mode = #tpu.pipeline_mode<synchronous>, transform_indices = @transform_3, window_bounds = array<i64: 384, 512>}, {pipeline_mode = #tpu.pipeline_mode<synchronous>, transform_indices = @transform_4, window_bounds = array<i64: 512, 512>}, {pipeline_mode = #tpu.pipeline_mode<synchronous>, transform_indices = @transform_5, window_bounds = array<i64: 1, 512>}, {transform_indices = @transform_6, window_bounds = array<i64: 8, 512, 512>}]} {
    %get3A = arith.constant 0 : index
    %get3A_0 = arith.constant 0 : index
    %get3A_1 = arith.constant 0 : index
    %get3A_2 = vector.load %arg2[%get3A, %get3A_0, %get3A_1] : memref<8x512x128xf32, #tpu.memory_space<vmem>>, vector<8x512x128xf32>
    %reshape3A = vector.shape_cast %get3A_2 : vector<8x512x128xf32> to vector<4096x128xf32>
    %broadcast_in_dim3A = arith.constant 0.000000e+00 : f32
    %broadcast_in_dim3A_3 = vector.broadcast %broadcast_in_dim3A : f32 to vector<1x128xf32>
    %slice3A = vector.extract_strided_slice %reshape3A {offsets = [1, 0], sizes = [4095, 128], strides = [1, 1]} : vector<4096x128xf32> to vector<4095x128xf32>
    %concatenate3A = tpu.concatenate %slice3A, %broadcast_in_dim3A_3 in 0 : vector<4095x128xf32>, vector<1x128xf32> -> vector<4096x128xf32>
    %slice3A_4 = vector.extract_strided_slice %reshape3A {offsets = [0, 0], sizes = [4095, 128], strides = [1, 1]} : vector<4096x128xf32> to vector<4095x128xf32>
    %concatenate3A_5 = tpu.concatenate %broadcast_in_dim3A_3, %slice3A_4 in 0 : vector<1x128xf32>, vector<4095x128xf32> -> vector<4096x128xf32>
    %iota3A = tpu.iota {dimensions = array<i32: 0>} : vector<4096x1xi32>
    %jit3A = arith.constant 512 : i32
    %eq3A = arith.constant 0 : i32
    %eq3A_6 = arith.cmpi eq, %jit3A, %eq3A : i32
    %jit3A_7 = arith.constant 1 : i32
    %select_n3A = arith.select %eq3A_6, %jit3A_7, %jit3A : i32
    %rem3A = vector.broadcast %select_n3A : i32 to vector<4096x1xi32>
    %rem3A_8 = arith.remsi %iota3A, %rem3A : vector<4096x1xi32>
    %ne3A = arith.constant 0 : i32
    %ne3A_9 = vector.broadcast %ne3A : i32 to vector<4096x1xi32>
    %ne3A_10 = arith.cmpi ne, %rem3A_8, %ne3A_9 : vector<4096x1xi32>
    %lt3A = arith.constant 0 : i32
    %lt3A_11 = vector.broadcast %lt3A : i32 to vector<4096x1xi32>
    %lt3A_12 = arith.cmpi slt, %rem3A_8, %lt3A_11 : vector<4096x1xi32>
    %lt3A_13 = arith.constant 0 : i32
    %lt3A_14 = arith.cmpi slt, %select_n3A, %lt3A_13 : i32
    %ne3A_15 = vector.broadcast %lt3A_14 : i1 to vector<4096x1xi1>
    %ne3A_16 = vector.broadcast %ne3A_15 : vector<4096x1xi1> to vector<4096x1xi1>
    %ne3A_17 = arith.xori %lt3A_12, %ne3A_16 : vector<4096x1xi1>
    %and3A = arith.andi %ne3A_17, %ne3A_10 : vector<4096x1xi1>
    %add3A = vector.broadcast %select_n3A : i32 to vector<4096x1xi32>
    %add3A_18 = arith.addi %rem3A_8, %add3A : vector<4096x1xi32>
    %select_n3A_19 = arith.select %and3A, %add3A_18, %rem3A_8 : vector<4096x1xi1>, vector<4096x1xi32>
    %eq3A_20 = arith.constant 511 : i32
    %eq3A_21 = vector.broadcast %eq3A_20 : i32 to vector<4096x1xi32>
    %eq3A_22 = arith.cmpi eq, %select_n3A_19, %eq3A_21 : vector<4096x1xi32>
    %jit3A_23 = arith.constant 0.000000e+00 : f32
    %broadcast_in_dim3A_24 = vector.shape_cast %eq3A_22 : vector<4096x1xi1> to vector<4096x1xi1>
    %broadcast_in_dim3A_25 = vector.broadcast %broadcast_in_dim3A_24 : vector<4096x1xi1> to vector<4096x128xi1>
    %broadcast_in_dim3A_26 = vector.broadcast %jit3A_23 : f32 to vector<4096x128xf32>
    %select_n3A_27 = arith.select %broadcast_in_dim3A_25, %broadcast_in_dim3A_26, %concatenate3A : vector<4096x128xi1>, vector<4096x128xf32>
    %eq3A_28 = arith.constant 0 : i32
    %eq3A_29 = vector.broadcast %eq3A_28 : i32 to vector<4096x1xi32>
    %eq3A_30 = arith.cmpi eq, %select_n3A_19, %eq3A_29 : vector<4096x1xi32>
    %jit3A_31 = arith.constant 0.000000e+00 : f32
    %broadcast_in_dim3A_32 = vector.shape_cast %eq3A_30 : vector<4096x1xi1> to vector<4096x1xi1>
    %broadcast_in_dim3A_33 = vector.broadcast %broadcast_in_dim3A_32 : vector<4096x1xi1> to vector<4096x128xi1>
    %broadcast_in_dim3A_34 = vector.broadcast %jit3A_31 : f32 to vector<4096x128xf32>
    %select_n3A_35 = arith.select %broadcast_in_dim3A_33, %broadcast_in_dim3A_34, %concatenate3A_5 : vector<4096x128xi1>, vector<4096x128xf32>
    %get3A_36 = arith.constant 128 : index
    %get3A_37 = arith.constant 0 : index
    %get3A_38 = vector.load %arg4[%get3A_36, %get3A_37] : memref<384x512xf32, #tpu.memory_space<vmem>>, vector<128x512xf32>
    %dot_general3A = arith.constant dense<0.000000e+00> : vector<4096x512xf32>
    %dot_general3A_39 = tpu.matmul %reshape3A, %get3A_38, %dot_general3A {dimension_numbers = #tpu.dot_dimension_numbers<[1], [0], [0], [1], [0, 0, 1, 1], [], []>, transpose_lhs_hint = false} : vector<4096x128xf32>, vector<128x512xf32>, vector<4096x512xf32> -> vector<4096x512xf32>
    %get3A_40 = arith.constant 0 : index
    %get3A_41 = arith.constant 0 : index
    %get3A_42 = vector.load %arg4[%get3A_40, %get3A_41] : memref<384x512xf32, #tpu.memory_space<vmem>>, vector<128x512xf32>
    %dot_general3A_43 = arith.constant dense<0.000000e+00> : vector<4096x512xf32>
    %dot_general3A_44 = tpu.matmul %select_n3A_27, %get3A_42, %dot_general3A_43 {dimension_numbers = #tpu.dot_dimension_numbers<[1], [0], [0], [1], [0, 0, 1, 1], [], []>, transpose_lhs_hint = false} : vector<4096x128xf32>, vector<128x512xf32>, vector<4096x512xf32> -> vector<4096x512xf32>
    %add3A_45 = arith.addf %dot_general3A_39, %dot_general3A_44 : vector<4096x512xf32>
    %get3A_46 = arith.constant 256 : index
    %get3A_47 = arith.constant 0 : index
    %get3A_48 = vector.load %arg4[%get3A_46, %get3A_47] : memref<384x512xf32, #tpu.memory_space<vmem>>, vector<128x512xf32>
    %dot_general3A_49 = arith.constant dense<0.000000e+00> : vector<4096x512xf32>
    %dot_general3A_50 = tpu.matmul %select_n3A_35, %get3A_48, %dot_general3A_49 {dimension_numbers = #tpu.dot_dimension_numbers<[1], [0], [0], [1], [0, 0, 1, 1], [], []>, transpose_lhs_hint = false} : vector<4096x128xf32>, vector<128x512xf32>, vector<4096x512xf32> -> vector<4096x512xf32>
    %add3A_51 = arith.addf %add3A_45, %dot_general3A_50 : vector<4096x512xf32>
    %reshape3A_52 = vector.shape_cast %add3A_51 : vector<4096x512xf32> to vector<8x512x512xf32>
    %get3A_53 = arith.constant 0 : index
    %get3A_54 = arith.constant 0 : index
    %get3A_55 = vector.load %arg5[%get3A_53, %get3A_54] : memref<512x512xf32, #tpu.memory_space<vmem>>, vector<512x512xf32>
    %broadcast_in_dim3A_56 = vector.shape_cast %get3A_55 : vector<512x512xf32> to vector<1x512x512xf32>
    %add3A_57 = vector.broadcast %broadcast_in_dim3A_56 : vector<1x512x512xf32> to vector<8x512x512xf32>
    %add3A_58 = arith.addf %reshape3A_52, %add3A_57 : vector<8x512x512xf32>
    %get3A_59 = arith.constant 0 : index
    %get3A_60 = arith.constant 0 : index
    %get3A_61 = vector.load %arg3[%get3A_59, %get3A_60] : memref<8x512xi32, #tpu.memory_space<vmem>>, vector<8x512xi32>
    %convert_element_type3A = arith.sitofp %get3A_61 : vector<8x512xi32> to vector<8x512xf32>
    %transpose3A = tpu.transpose %convert_element_type3A, [1, 0] : vector<8x512xf32> -> vector<512x8xf32>
    %get3A_62 = arith.constant 0 : index
    %get3A_63 = arith.constant 0 : index
    %get3A_64 = vector.load %arg6[%get3A_62, %get3A_63] : memref<1x512xf32, #tpu.memory_space<vmem>>, vector<1x512xf32>
    %slice3A_65 = vector.extract_strided_slice %add3A_58 {offsets = [0, 0, 0], sizes = [1, 512, 512], strides = [1, 1, 1]} : vector<8x512x512xf32> to vector<1x512x512xf32>
    %squeeze3A = vector.shape_cast %slice3A_65 : vector<1x512x512xf32> to vector<512x512xf32>
    %slice3A_66 = vector.extract_strided_slice %transpose3A {offsets = [0, 0], sizes = [512, 1], strides = [1, 1]} : vector<512x8xf32> to vector<512x1xf32>
    %mul3A = vector.broadcast %slice3A_66 : vector<512x1xf32> to vector<512x512xf32>
    %mul3A_67 = vector.broadcast %get3A_64 : vector<1x512xf32> to vector<512x512xf32>
    %mul3A_68 = arith.mulf %mul3A, %mul3A_67 : vector<512x512xf32>
    %add3A_69 = arith.addf %squeeze3A, %mul3A_68 : vector<512x512xf32>
    %swap3A = arith.constant 0 : index
    %swap3A_70 = arith.constant 0 : index
    %swap3A_71 = arith.constant 0 : index
    %swap3A_72 = vector.load %arg7[%swap3A, %swap3A_70, %swap3A_71] : memref<8x512x512xf32, #tpu.memory_space<vmem>>, vector<1x512x512xf32>
    %swap3A_73 = vector.shape_cast %swap3A_72 : vector<1x512x512xf32> to vector<512x512xf32>
    %swap3A_74 = vector.shape_cast %add3A_69 : vector<512x512xf32> to vector<1x512x512xf32>
    tpu.vector_store %arg7[%swap3A, %swap3A_70, %swap3A_71], %swap3A_74 {strides = array<i32>} : memref<8x512x512xf32, #tpu.memory_space<vmem>>, vector<1x512x512xf32>,
    %slice3A_75 = vector.extract_strided_slice %add3A_58 {offsets = [1, 0, 0], sizes = [1, 512, 512], strides = [1, 1, 1]} : vector<8x512x512xf32> to vector<1x512x512xf32>
    %squeeze3A_76 = vector.shape_cast %slice3A_75 : vector<1x512x512xf32> to vector<512x512xf32>
    %slice3A_77 = vector.extract_strided_slice %transpose3A {offsets = [0, 1], sizes = [512, 1], strides = [1, 1]} : vector<512x8xf32> to vector<512x1xf32>
    %mul3A_78 = vector.broadcast %slice3A_77 : vector<512x1xf32> to vector<512x512xf32>
    %mul3A_79 = vector.broadcast %get3A_64 : vector<1x512xf32> to vector<512x512xf32>
    %mul3A_80 = arith.mulf %mul3A_78, %mul3A_79 : vector<512x512xf32>
    %add3A_81 = arith.addf %squeeze3A_76, %mul3A_80 : vector<512x512xf32>
    %swap3A_82 = arith.constant 1 : index
    %swap3A_83 = arith.constant 0 : index
    %swap3A_84 = arith.constant 0 : index
    %swap3A_85 = vector.load %arg7[%swap3A_82, %swap3A_83, %swap3A_84] : memref<8x512x512xf32, #tpu.memory_space<vmem>>, vector<1x512x512xf32>
    %swap3A_86 = vector.shape_cast %swap3A_85 : vector<1x512x512xf32> to vector<512x512xf32>
    %swap3A_87 = vector.shape_cast %add3A_81 : vector<512x512xf32> to vector<1x512x512xf32>
    tpu.vector_store %arg7[%swap3A_82, %swap3A_83, %swap3A_84], %swap3A_87 {strides = array<i32>} : memref<8x512x512xf32, #tpu.memory_space<vmem>>, vector<1x512x512xf32>,
    %slice3A_88 = vector.extract_strided_slice %add3A_58 {offsets = [2, 0, 0], sizes = [1, 512, 512], strides = [1, 1, 1]} : vector<8x512x512xf32> to vector<1x512x512xf32>
    %squeeze3A_89 = vector.shape_cast %slice3A_88 : vector<1x512x512xf32> to vector<512x512xf32>
    %slice3A_90 = vector.extract_strided_slice %transpose3A {offsets = [0, 2], sizes = [512, 1], strides = [1, 1]} : vector<512x8xf32> to vector<512x1xf32>
    %mul3A_91 = vector.broadcast %slice3A_90 : vector<512x1xf32> to vector<512x512xf32>
    %mul3A_92 = vector.broadcast %get3A_64 : vector<1x512xf32> to vector<512x512xf32>
    %mul3A_93 = arith.mulf %mul3A_91, %mul3A_92 : vector<512x512xf32>
    %add3A_94 = arith.addf %squeeze3A_89, %mul3A_93 : vector<512x512xf32>
    %swap3A_95 = arith.constant 2 : index
    %swap3A_96 = arith.constant 0 : index
    %swap3A_97 = arith.constant 0 : index
    %swap3A_98 = vector.load %arg7[%swap3A_95, %swap3A_96, %swap3A_97] : memref<8x512x512xf32, #tpu.memory_space<vmem>>, vector<1x512x512xf32>
    %swap3A_99 = vector.shape_cast %swap3A_98 : vector<1x512x512xf32> to vector<512x512xf32>
    %swap3A_100 = vector.shape_cast %add3A_94 : vector<512x512xf32> to vector<1x512x512xf32>
    tpu.vector_store %arg7[%swap3A_95, %swap3A_96, %swap3A_97], %swap3A_100 {strides = array<i32>} : memref<8x512x512xf32, #tpu.memory_space<vmem>>, vector<1x512x512xf32>,
    %slice3A_101 = vector.extract_strided_slice %add3A_58 {offsets = [3, 0, 0], sizes = [1, 512, 512], strides = [1, 1, 1]} : vector<8x512x512xf32> to vector<1x512x512xf32>
    %squeeze3A_102 = vector.shape_cast %slice3A_101 : vector<1x512x512xf32> to vector<512x512xf32>
    %slice3A_103 = vector.extract_strided_slice %transpose3A {offsets = [0, 3], sizes = [512, 1], strides = [1, 1]} : vector<512x8xf32> to vector<512x1xf32>
    %mul3A_104 = vector.broadcast %slice3A_103 : vector<512x1xf32> to vector<512x512xf32>
    %mul3A_105 = vector.broadcast %get3A_64 : vector<1x512xf32> to vector<512x512xf32>
    %mul3A_106 = arith.mulf %mul3A_104, %mul3A_105 : vector<512x512xf32>
    %add3A_107 = arith.addf %squeeze3A_102, %mul3A_106 : vector<512x512xf32>
    %swap3A_108 = arith.constant 3 : index
    %swap3A_109 = arith.constant 0 : index
    %swap3A_110 = arith.constant 0 : index
    %swap3A_111 = vector.load %arg7[%swap3A_108, %swap3A_109, %swap3A_110] : memref<8x512x512xf32, #tpu.memory_space<vmem>>, vector<1x512x512xf32>
    %swap3A_112 = vector.shape_cast %swap3A_111 : vector<1x512x512xf32> to vector<512x512xf32>
    %swap3A_113 = vector.shape_cast %add3A_107 : vector<512x512xf32> to vector<1x512x512xf32>
    tpu.vector_store %arg7[%swap3A_108, %swap3A_109, %swap3A_110], %swap3A_113 {strides = array<i32>} : memref<8x512x512xf32, #tpu.memory_space<vmem>>, vector<1x512x512xf32>,
    %slice3A_114 = vector.extract_strided_slice %add3A_58 {offsets = [4, 0, 0], sizes = [1, 512, 512], strides = [1, 1, 1]} : vector<8x512x512xf32> to vector<1x512x512xf32>
    %squeeze3A_115 = vector.shape_cast %slice3A_114 : vector<1x512x512xf32> to vector<512x512xf32>
    %slice3A_116 = vector.extract_strided_slice %transpose3A {offsets = [0, 4], sizes = [512, 1], strides = [1, 1]} : vector<512x8xf32> to vector<512x1xf32>
    %mul3A_117 = vector.broadcast %slice3A_116 : vector<512x1xf32> to vector<512x512xf32>
    %mul3A_118 = vector.broadcast %get3A_64 : vector<1x512xf32> to vector<512x512xf32>
    %mul3A_119 = arith.mulf %mul3A_117, %mul3A_118 : vector<512x512xf32>
    %add3A_120 = arith.addf %squeeze3A_115, %mul3A_119 : vector<512x512xf32>
    %swap3A_121 = arith.constant 4 : index
    %swap3A_122 = arith.constant 0 : index
    %swap3A_123 = arith.constant 0 : index
    %swap3A_124 = vector.load %arg7[%swap3A_121, %swap3A_122, %swap3A_123] : memref<8x512x512xf32, #tpu.memory_space<vmem>>, vector<1x512x512xf32>
    %swap3A_125 = vector.shape_cast %swap3A_124 : vector<1x512x512xf32> to vector<512x512xf32>
    %swap3A_126 = vector.shape_cast %add3A_120 : vector<512x512xf32> to vector<1x512x512xf32>
    tpu.vector_store %arg7[%swap3A_121, %swap3A_122, %swap3A_123], %swap3A_126 {strides = array<i32>} : memref<8x512x512xf32, #tpu.memory_space<vmem>>, vector<1x512x512xf32>,
    %slice3A_127 = vector.extract_strided_slice %add3A_58 {offsets = [5, 0, 0], sizes = [1, 512, 512], strides = [1, 1, 1]} : vector<8x512x512xf32> to vector<1x512x512xf32>
    %squeeze3A_128 = vector.shape_cast %slice3A_127 : vector<1x512x512xf32> to vector<512x512xf32>
    %slice3A_129 = vector.extract_strided_slice %transpose3A {offsets = [0, 5], sizes = [512, 1], strides = [1, 1]} : vector<512x8xf32> to vector<512x1xf32>
    %mul3A_130 = vector.broadcast %slice3A_129 : vector<512x1xf32> to vector<512x512xf32>
    %mul3A_131 = vector.broadcast %get3A_64 : vector<1x512xf32> to vector<512x512xf32>
    %mul3A_132 = arith.mulf %mul3A_130, %mul3A_131 : vector<512x512xf32>
    %add3A_133 = arith.addf %squeeze3A_128, %mul3A_132 : vector<512x512xf32>
    %swap3A_134 = arith.constant 5 : index
    %swap3A_135 = arith.constant 0 : index
    %swap3A_136 = arith.constant 0 : index
    %swap3A_137 = vector.load %arg7[%swap3A_134, %swap3A_135, %swap3A_136] : memref<8x512x512xf32, #tpu.memory_space<vmem>>, vector<1x512x512xf32>
    %swap3A_138 = vector.shape_cast %swap3A_137 : vector<1x512x512xf32> to vector<512x512xf32>
    %swap3A_139 = vector.shape_cast %add3A_133 : vector<512x512xf32> to vector<1x512x512xf32>
    tpu.vector_store %arg7[%swap3A_134, %swap3A_135, %swap3A_136], %swap3A_139 {strides = array<i32>} : memref<8x512x512xf32, #tpu.memory_space<vmem>>, vector<1x512x512xf32>,
    %slice3A_140 = vector.extract_strided_slice %add3A_58 {offsets = [6, 0, 0], sizes = [1, 512, 512], strides = [1, 1, 1]} : vector<8x512x512xf32> to vector<1x512x512xf32>
    %squeeze3A_141 = vector.shape_cast %slice3A_140 : vector<1x512x512xf32> to vector<512x512xf32>
    %slice3A_142 = vector.extract_strided_slice %transpose3A {offsets = [0, 6], sizes = [512, 1], strides = [1, 1]} : vector<512x8xf32> to vector<512x1xf32>
    %mul3A_143 = vector.broadcast %slice3A_142 : vector<512x1xf32> to vector<512x512xf32>
    %mul3A_144 = vector.broadcast %get3A_64 : vector<1x512xf32> to vector<512x512xf32>
    %mul3A_145 = arith.mulf %mul3A_143, %mul3A_144 : vector<512x512xf32>
    %add3A_146 = arith.addf %squeeze3A_141, %mul3A_145 : vector<512x512xf32>
    %swap3A_147 = arith.constant 6 : index
    %swap3A_148 = arith.constant 0 : index
    %swap3A_149 = arith.constant 0 : index
    %swap3A_150 = vector.load %arg7[%swap3A_147, %swap3A_148, %swap3A_149] : memref<8x512x512xf32, #tpu.memory_space<vmem>>, vector<1x512x512xf32>
    %swap3A_151 = vector.shape_cast %swap3A_150 : vector<1x512x512xf32> to vector<512x512xf32>
    %swap3A_152 = vector.shape_cast %add3A_146 : vector<512x512xf32> to vector<1x512x512xf32>
    tpu.vector_store %arg7[%swap3A_147, %swap3A_148, %swap3A_149], %swap3A_152 {strides = array<i32>} : memref<8x512x512xf32, #tpu.memory_space<vmem>>, vector<1x512x512xf32>,
    %slice3A_153 = vector.extract_strided_slice %add3A_58 {offsets = [7, 0, 0], sizes = [1, 512, 512], strides = [1, 1, 1]} : vector<8x512x512xf32> to vector<1x512x512xf32>
    %squeeze3A_154 = vector.shape_cast %slice3A_153 : vector<1x512x512xf32> to vector<512x512xf32>
    %slice3A_155 = vector.extract_strided_slice %transpose3A {offsets = [0, 7], sizes = [512, 1], strides = [1, 1]} : vector<512x8xf32> to vector<512x1xf32>
    %mul3A_156 = vector.broadcast %slice3A_155 : vector<512x1xf32> to vector<512x512xf32>
    %mul3A_157 = vector.broadcast %get3A_64 : vector<1x512xf32> to vector<512x512xf32>
    %mul3A_158 = arith.mulf %mul3A_156, %mul3A_157 : vector<512x512xf32>
    %add3A_159 = arith.addf %squeeze3A_154, %mul3A_158 : vector<512x512xf32>
    %swap3A_160 = arith.constant 7 : index
    %swap3A_161 = arith.constant 0 : index
    %swap3A_162 = arith.constant 0 : index
    %swap3A_163 = vector.load %arg7[%swap3A_160, %swap3A_161, %swap3A_162] : memref<8x512x512xf32, #tpu.memory_space<vmem>>, vector<1x512x512xf32>
    %swap3A_164 = vector.shape_cast %swap3A_163 : vector<1x512x512xf32> to vector<512x512xf32>
    %swap3A_165 = vector.shape_cast %add3A_159 : vector<512x512xf32> to vector<1x512x512xf32>
    tpu.vector_store %arg7[%swap3A_160, %swap3A_161, %swap3A_162], %swap3A_165 {strides = array<i32>} : memref<8x512x512xf32, #tpu.memory_space<vmem>>, vector<1x512x512xf32>,
    return
  }
  func.func @transform_1(%arg0: i32) -> (i32, i32, i32) {
    %c0_i32 = arith.constant 0 : i32
    %c0_i32_0 = arith.constant 0 : i32
    %c0_i32_1 = arith.constant 0 : i32
    return %arg0, %c0_i32, %c0_i32_0 : i32, i32, i32
  }
  func.func @transform_2(%arg0: i32) -> (i32, i32) {
    %add3A = arith.constant 4 : i32
    %add3A_0 = arith.addi %add3A, %arg0 : i32
    %c0_i32 = arith.constant 0 : i32
    %c0_i32_1 = arith.constant 0 : i32
    return %add3A_0, %c0_i32 : i32, i32
  }
  func.func @transform_3(%arg0: i32) -> (i32, i32) {
    %c0_i32 = arith.constant 0 : i32
    %c0_i32_0 = arith.constant 0 : i32
    %c0_i32_1 = arith.constant 0 : i32
    return %c0_i32, %c0_i32_0 : i32, i32
  }
  func.func @transform_4(%arg0: i32) -> (i32, i32) {
    %c0_i32 = arith.constant 0 : i32
    %c0_i32_0 = arith.constant 0 : i32
    %c0_i32_1 = arith.constant 0 : i32
    return %c0_i32, %c0_i32_0 : i32, i32
  }
  func.func @transform_5(%arg0: i32) -> (i32, i32) {
    %c0_i32 = arith.constant 0 : i32
    %c0_i32_0 = arith.constant 0 : i32
    %c0_i32_1 = arith.constant 0 : i32
    return %c0_i32, %c0_i32_0 : i32, i32
  }
  func.func @transform_6(%arg0: i32) -> (i32, i32, i32) {
    %add3A = arith.constant 4 : i32
    %add3A_0 = arith.addi %add3A, %arg0 : i32
    %c0_i32 = arith.constant 0 : i32
    %c0_i32_1 = arith.constant 0 : i32
    %c0_i32_2 = arith.constant 0 : i32
    return %add3A_0, %c0_i32, %c0_i32_1 : i32, i32, i32
  }
}

module attributes {stable_mosaic.version = 14 : i64} {
  func.func @_tc_chunk_body(%arg0: i32, %arg1: memref<256x512x512xf32, #tpu.memory_space<any>>, %arg2: memref<8x512x128xf32, #tpu.memory_space<vmem>>, %arg3: memref<8x512xi32, #tpu.memory_space<vmem>>, %arg4: memref<384x512xf32, #tpu.memory_space<vmem>>, %arg5: memref<512x512xf32, #tpu.memory_space<vmem>>, %arg6: memref<1x512xf32, #tpu.memory_space<vmem>>, %arg7: memref<8x512x512xf32, #tpu.memory_space<vmem>>) attributes {dimension_semantics = [#tpu.dimension_semantics<arbitrary>], iteration_bounds = array<i64: 16>, scalar_prefetch = 0 : i64, scratch_operands = 0 : i64, tpu.core_type = #tpu.core_type<tc>, window_params = [{}, {transform_indices = @transform_1, window_bounds = array<i64: 8, 512, 128>}, {transform_indices = @transform_2, window_bounds = array<i64: 8, 512>}, {pipeline_mode = #tpu.pipeline_mode<synchronous>, transform_indices = @transform_3, window_bounds = array<i64: 384, 512>}, {pipeline_mode = #tpu.pipeline_mode<synchronous>, transform_indices = @transform_4, window_bounds = array<i64: 512, 512>}, {pipeline_mode = #tpu.pipeline_mode<synchronous>, transform_indices = @transform_5, window_bounds = array<i64: 1, 512>}, {transform_indices = @transform_6, window_bounds = array<i64: 8, 512, 512>}]} {
    %get3A = arith.constant 0 : index
    %get3A_0 = arith.constant 0 : index
    %get3A_1 = arith.constant 0 : index
    %get3A_2 = vector.load %arg2[%get3A, %get3A_0, %get3A_1] : memref<8x512x128xf32, #tpu.memory_space<vmem>>, vector<8x512x128xf32>
    %reshape3A = vector.shape_cast %get3A_2 : vector<8x512x128xf32> to vector<4096x128xf32>
    %broadcast_in_dim3A = arith.constant 0.000000e+00 : f32
    %broadcast_in_dim3A_3 = vector.broadcast %broadcast_in_dim3A : f32 to vector<1x128xf32>
    %slice3A = vector.extract_strided_slice %reshape3A {offsets = [1, 0], sizes = [4095, 128], strides = [1, 1]} : vector<4096x128xf32> to vector<4095x128xf32>
    %concatenate3A = tpu.concatenate %slice3A, %broadcast_in_dim3A_3 in 0 : vector<4095x128xf32>, vector<1x128xf32> -> vector<4096x128xf32>
    %slice3A_4 = vector.extract_strided_slice %reshape3A {offsets = [0, 0], sizes = [4095, 128], strides = [1, 1]} : vector<4096x128xf32> to vector<4095x128xf32>
    %concatenate3A_5 = tpu.concatenate %broadcast_in_dim3A_3, %slice3A_4 in 0 : vector<1x128xf32>, vector<4095x128xf32> -> vector<4096x128xf32>
    %iota3A = tpu.iota {dimensions = array<i32: 0>} : vector<4096x1xi32>
    %jit3A = arith.constant 512 : i32
    %eq3A = arith.constant 0 : i32
    %eq3A_6 = arith.cmpi eq, %jit3A, %eq3A : i32
    %jit3A_7 = arith.constant 1 : i32
    %select_n3A = arith.select %eq3A_6, %jit3A_7, %jit3A : i32
    %rem3A = vector.broadcast %select_n3A : i32 to vector<4096x1xi32>
    %rem3A_8 = arith.remsi %iota3A, %rem3A : vector<4096x1xi32>
    %ne3A = arith.constant 0 : i32
    %ne3A_9 = vector.broadcast %ne3A : i32 to vector<4096x1xi32>
    %ne3A_10 = arith.cmpi ne, %rem3A_8, %ne3A_9 : vector<4096x1xi32>
    %lt3A = arith.constant 0 : i32
    %lt3A_11 = vector.broadcast %lt3A : i32 to vector<4096x1xi32>
    %lt3A_12 = arith.cmpi slt, %rem3A_8, %lt3A_11 : vector<4096x1xi32>
    %lt3A_13 = arith.constant 0 : i32
    %lt3A_14 = arith.cmpi slt, %select_n3A, %lt3A_13 : i32
    %ne3A_15 = vector.broadcast %lt3A_14 : i1 to vector<4096x1xi1>
    %ne3A_16 = vector.broadcast %ne3A_15 : vector<4096x1xi1> to vector<4096x1xi1>
    %ne3A_17 = arith.xori %lt3A_12, %ne3A_16 : vector<4096x1xi1>
    %and3A = arith.andi %ne3A_17, %ne3A_10 : vector<4096x1xi1>
    %add3A = vector.broadcast %select_n3A : i32 to vector<4096x1xi32>
    %add3A_18 = arith.addi %rem3A_8, %add3A : vector<4096x1xi32>
    %select_n3A_19 = arith.select %and3A, %add3A_18, %rem3A_8 : vector<4096x1xi1>, vector<4096x1xi32>
    %eq3A_20 = arith.constant 511 : i32
    %eq3A_21 = vector.broadcast %eq3A_20 : i32 to vector<4096x1xi32>
    %eq3A_22 = arith.cmpi eq, %select_n3A_19, %eq3A_21 : vector<4096x1xi32>
    %jit3A_23 = arith.constant 0.000000e+00 : f32
    %broadcast_in_dim3A_24 = vector.shape_cast %eq3A_22 : vector<4096x1xi1> to vector<4096x1xi1>
    %broadcast_in_dim3A_25 = vector.broadcast %broadcast_in_dim3A_24 : vector<4096x1xi1> to vector<4096x128xi1>
    %broadcast_in_dim3A_26 = vector.broadcast %jit3A_23 : f32 to vector<4096x128xf32>
    %select_n3A_27 = arith.select %broadcast_in_dim3A_25, %broadcast_in_dim3A_26, %concatenate3A : vector<4096x128xi1>, vector<4096x128xf32>
    %eq3A_28 = arith.constant 0 : i32
    %eq3A_29 = vector.broadcast %eq3A_28 : i32 to vector<4096x1xi32>
    %eq3A_30 = arith.cmpi eq, %select_n3A_19, %eq3A_29 : vector<4096x1xi32>
    %jit3A_31 = arith.constant 0.000000e+00 : f32
    %broadcast_in_dim3A_32 = vector.shape_cast %eq3A_30 : vector<4096x1xi1> to vector<4096x1xi1>
    %broadcast_in_dim3A_33 = vector.broadcast %broadcast_in_dim3A_32 : vector<4096x1xi1> to vector<4096x128xi1>
    %broadcast_in_dim3A_34 = vector.broadcast %jit3A_31 : f32 to vector<4096x128xf32>
    %select_n3A_35 = arith.select %broadcast_in_dim3A_33, %broadcast_in_dim3A_34, %concatenate3A_5 : vector<4096x128xi1>, vector<4096x128xf32>
    %get3A_36 = arith.constant 128 : index
    %get3A_37 = arith.constant 0 : index
    %get3A_38 = vector.load %arg4[%get3A_36, %get3A_37] : memref<384x512xf32, #tpu.memory_space<vmem>>, vector<128x512xf32>
    %dot_general3A = arith.constant dense<0.000000e+00> : vector<4096x512xf32>
    %dot_general3A_39 = tpu.matmul %reshape3A, %get3A_38, %dot_general3A {dimension_numbers = #tpu.dot_dimension_numbers<[1], [0], [0], [1], [0, 0, 1, 1], [], []>, transpose_lhs_hint = false} : vector<4096x128xf32>, vector<128x512xf32>, vector<4096x512xf32> -> vector<4096x512xf32>
    %get3A_40 = arith.constant 0 : index
    %get3A_41 = arith.constant 0 : index
    %get3A_42 = vector.load %arg4[%get3A_40, %get3A_41] : memref<384x512xf32, #tpu.memory_space<vmem>>, vector<128x512xf32>
    %dot_general3A_43 = arith.constant dense<0.000000e+00> : vector<4096x512xf32>
    %dot_general3A_44 = tpu.matmul %select_n3A_27, %get3A_42, %dot_general3A_43 {dimension_numbers = #tpu.dot_dimension_numbers<[1], [0], [0], [1], [0, 0, 1, 1], [], []>, transpose_lhs_hint = false} : vector<4096x128xf32>, vector<128x512xf32>, vector<4096x512xf32> -> vector<4096x512xf32>
    %add3A_45 = arith.addf %dot_general3A_39, %dot_general3A_44 : vector<4096x512xf32>
    %get3A_46 = arith.constant 256 : index
    %get3A_47 = arith.constant 0 : index
    %get3A_48 = vector.load %arg4[%get3A_46, %get3A_47] : memref<384x512xf32, #tpu.memory_space<vmem>>, vector<128x512xf32>
    %dot_general3A_49 = arith.constant dense<0.000000e+00> : vector<4096x512xf32>
    %dot_general3A_50 = tpu.matmul %select_n3A_35, %get3A_48, %dot_general3A_49 {dimension_numbers = #tpu.dot_dimension_numbers<[1], [0], [0], [1], [0, 0, 1, 1], [], []>, transpose_lhs_hint = false} : vector<4096x128xf32>, vector<128x512xf32>, vector<4096x512xf32> -> vector<4096x512xf32>
    %add3A_51 = arith.addf %add3A_45, %dot_general3A_50 : vector<4096x512xf32>
    %reshape3A_52 = vector.shape_cast %add3A_51 : vector<4096x512xf32> to vector<8x512x512xf32>
    %get3A_53 = arith.constant 0 : index
    %get3A_54 = arith.constant 0 : index
    %get3A_55 = vector.load %arg5[%get3A_53, %get3A_54] : memref<512x512xf32, #tpu.memory_space<vmem>>, vector<512x512xf32>
    %broadcast_in_dim3A_56 = vector.shape_cast %get3A_55 : vector<512x512xf32> to vector<1x512x512xf32>
    %add3A_57 = vector.broadcast %broadcast_in_dim3A_56 : vector<1x512x512xf32> to vector<8x512x512xf32>
    %add3A_58 = arith.addf %reshape3A_52, %add3A_57 : vector<8x512x512xf32>
    %get3A_59 = arith.constant 0 : index
    %get3A_60 = arith.constant 0 : index
    %get3A_61 = vector.load %arg3[%get3A_59, %get3A_60] : memref<8x512xi32, #tpu.memory_space<vmem>>, vector<8x512xi32>
    %convert_element_type3A = arith.sitofp %get3A_61 : vector<8x512xi32> to vector<8x512xf32>
    %transpose3A = tpu.transpose %convert_element_type3A, [1, 0] : vector<8x512xf32> -> vector<512x8xf32>
    %get3A_62 = arith.constant 0 : index
    %get3A_63 = arith.constant 0 : index
    %get3A_64 = vector.load %arg6[%get3A_62, %get3A_63] : memref<1x512xf32, #tpu.memory_space<vmem>>, vector<1x512xf32>
    %slice3A_65 = vector.extract_strided_slice %add3A_58 {offsets = [0, 0, 0], sizes = [1, 512, 512], strides = [1, 1, 1]} : vector<8x512x512xf32> to vector<1x512x512xf32>
    %squeeze3A = vector.shape_cast %slice3A_65 : vector<1x512x512xf32> to vector<512x512xf32>
    %slice3A_66 = vector.extract_strided_slice %transpose3A {offsets = [0, 0], sizes = [512, 1], strides = [1, 1]} : vector<512x8xf32> to vector<512x1xf32>
    %mul3A = vector.broadcast %slice3A_66 : vector<512x1xf32> to vector<512x512xf32>
    %mul3A_67 = vector.broadcast %get3A_64 : vector<1x512xf32> to vector<512x512xf32>
    %mul3A_68 = arith.mulf %mul3A, %mul3A_67 : vector<512x512xf32>
    %add3A_69 = arith.addf %squeeze3A, %mul3A_68 : vector<512x512xf32>
    %swap3A = arith.constant 0 : index
    %swap3A_70 = arith.constant 0 : index
    %swap3A_71 = arith.constant 0 : index
    %swap3A_72 = vector.load %arg7[%swap3A, %swap3A_70, %swap3A_71] : memref<8x512x512xf32, #tpu.memory_space<vmem>>, vector<1x512x512xf32>
    %swap3A_73 = vector.shape_cast %swap3A_72 : vector<1x512x512xf32> to vector<512x512xf32>
    %swap3A_74 = vector.shape_cast %add3A_69 : vector<512x512xf32> to vector<1x512x512xf32>
    tpu.vector_store %arg7[%swap3A, %swap3A_70, %swap3A_71], %swap3A_74 {strides = array<i32>} : memref<8x512x512xf32, #tpu.memory_space<vmem>>, vector<1x512x512xf32>,
    %slice3A_75 = vector.extract_strided_slice %add3A_58 {offsets = [1, 0, 0], sizes = [1, 512, 512], strides = [1, 1, 1]} : vector<8x512x512xf32> to vector<1x512x512xf32>
    %squeeze3A_76 = vector.shape_cast %slice3A_75 : vector<1x512x512xf32> to vector<512x512xf32>
    %slice3A_77 = vector.extract_strided_slice %transpose3A {offsets = [0, 1], sizes = [512, 1], strides = [1, 1]} : vector<512x8xf32> to vector<512x1xf32>
    %mul3A_78 = vector.broadcast %slice3A_77 : vector<512x1xf32> to vector<512x512xf32>
    %mul3A_79 = vector.broadcast %get3A_64 : vector<1x512xf32> to vector<512x512xf32>
    %mul3A_80 = arith.mulf %mul3A_78, %mul3A_79 : vector<512x512xf32>
    %add3A_81 = arith.addf %squeeze3A_76, %mul3A_80 : vector<512x512xf32>
    %swap3A_82 = arith.constant 1 : index
    %swap3A_83 = arith.constant 0 : index
    %swap3A_84 = arith.constant 0 : index
    %swap3A_85 = vector.load %arg7[%swap3A_82, %swap3A_83, %swap3A_84] : memref<8x512x512xf32, #tpu.memory_space<vmem>>, vector<1x512x512xf32>
    %swap3A_86 = vector.shape_cast %swap3A_85 : vector<1x512x512xf32> to vector<512x512xf32>
    %swap3A_87 = vector.shape_cast %add3A_81 : vector<512x512xf32> to vector<1x512x512xf32>
    tpu.vector_store %arg7[%swap3A_82, %swap3A_83, %swap3A_84], %swap3A_87 {strides = array<i32>} : memref<8x512x512xf32, #tpu.memory_space<vmem>>, vector<1x512x512xf32>,
    %slice3A_88 = vector.extract_strided_slice %add3A_58 {offsets = [2, 0, 0], sizes = [1, 512, 512], strides = [1, 1, 1]} : vector<8x512x512xf32> to vector<1x512x512xf32>
    %squeeze3A_89 = vector.shape_cast %slice3A_88 : vector<1x512x512xf32> to vector<512x512xf32>
    %slice3A_90 = vector.extract_strided_slice %transpose3A {offsets = [0, 2], sizes = [512, 1], strides = [1, 1]} : vector<512x8xf32> to vector<512x1xf32>
    %mul3A_91 = vector.broadcast %slice3A_90 : vector<512x1xf32> to vector<512x512xf32>
    %mul3A_92 = vector.broadcast %get3A_64 : vector<1x512xf32> to vector<512x512xf32>
    %mul3A_93 = arith.mulf %mul3A_91, %mul3A_92 : vector<512x512xf32>
    %add3A_94 = arith.addf %squeeze3A_89, %mul3A_93 : vector<512x512xf32>
    %swap3A_95 = arith.constant 2 : index
    %swap3A_96 = arith.constant 0 : index
    %swap3A_97 = arith.constant 0 : index
    %swap3A_98 = vector.load %arg7[%swap3A_95, %swap3A_96, %swap3A_97] : memref<8x512x512xf32, #tpu.memory_space<vmem>>, vector<1x512x512xf32>
    %swap3A_99 = vector.shape_cast %swap3A_98 : vector<1x512x512xf32> to vector<512x512xf32>
    %swap3A_100 = vector.shape_cast %add3A_94 : vector<512x512xf32> to vector<1x512x512xf32>
    tpu.vector_store %arg7[%swap3A_95, %swap3A_96, %swap3A_97], %swap3A_100 {strides = array<i32>} : memref<8x512x512xf32, #tpu.memory_space<vmem>>, vector<1x512x512xf32>,
    %slice3A_101 = vector.extract_strided_slice %add3A_58 {offsets = [3, 0, 0], sizes = [1, 512, 512], strides = [1, 1, 1]} : vector<8x512x512xf32> to vector<1x512x512xf32>
    %squeeze3A_102 = vector.shape_cast %slice3A_101 : vector<1x512x512xf32> to vector<512x512xf32>
    %slice3A_103 = vector.extract_strided_slice %transpose3A {offsets = [0, 3], sizes = [512, 1], strides = [1, 1]} : vector<512x8xf32> to vector<512x1xf32>
    %mul3A_104 = vector.broadcast %slice3A_103 : vector<512x1xf32> to vector<512x512xf32>
    %mul3A_105 = vector.broadcast %get3A_64 : vector<1x512xf32> to vector<512x512xf32>
    %mul3A_106 = arith.mulf %mul3A_104, %mul3A_105 : vector<512x512xf32>
    %add3A_107 = arith.addf %squeeze3A_102, %mul3A_106 : vector<512x512xf32>
    %swap3A_108 = arith.constant 3 : index
    %swap3A_109 = arith.constant 0 : index
    %swap3A_110 = arith.constant 0 : index
    %swap3A_111 = vector.load %arg7[%swap3A_108, %swap3A_109, %swap3A_110] : memref<8x512x512xf32, #tpu.memory_space<vmem>>, vector<1x512x512xf32>
    %swap3A_112 = vector.shape_cast %swap3A_111 : vector<1x512x512xf32> to vector<512x512xf32>
    %swap3A_113 = vector.shape_cast %add3A_107 : vector<512x512xf32> to vector<1x512x512xf32>
    tpu.vector_store %arg7[%swap3A_108, %swap3A_109, %swap3A_110], %swap3A_113 {strides = array<i32>} : memref<8x512x512xf32, #tpu.memory_space<vmem>>, vector<1x512x512xf32>,
    %slice3A_114 = vector.extract_strided_slice %add3A_58 {offsets = [4, 0, 0], sizes = [1, 512, 512], strides = [1, 1, 1]} : vector<8x512x512xf32> to vector<1x512x512xf32>
    %squeeze3A_115 = vector.shape_cast %slice3A_114 : vector<1x512x512xf32> to vector<512x512xf32>
    %slice3A_116 = vector.extract_strided_slice %transpose3A {offsets = [0, 4], sizes = [512, 1], strides = [1, 1]} : vector<512x8xf32> to vector<512x1xf32>
    %mul3A_117 = vector.broadcast %slice3A_116 : vector<512x1xf32> to vector<512x512xf32>
    %mul3A_118 = vector.broadcast %get3A_64 : vector<1x512xf32> to vector<512x512xf32>
    %mul3A_119 = arith.mulf %mul3A_117, %mul3A_118 : vector<512x512xf32>
    %add3A_120 = arith.addf %squeeze3A_115, %mul3A_119 : vector<512x512xf32>
    %swap3A_121 = arith.constant 4 : index
    %swap3A_122 = arith.constant 0 : index
    %swap3A_123 = arith.constant 0 : index
    %swap3A_124 = vector.load %arg7[%swap3A_121, %swap3A_122, %swap3A_123] : memref<8x512x512xf32, #tpu.memory_space<vmem>>, vector<1x512x512xf32>
    %swap3A_125 = vector.shape_cast %swap3A_124 : vector<1x512x512xf32> to vector<512x512xf32>
    %swap3A_126 = vector.shape_cast %add3A_120 : vector<512x512xf32> to vector<1x512x512xf32>
    tpu.vector_store %arg7[%swap3A_121, %swap3A_122, %swap3A_123], %swap3A_126 {strides = array<i32>} : memref<8x512x512xf32, #tpu.memory_space<vmem>>, vector<1x512x512xf32>,
    %slice3A_127 = vector.extract_strided_slice %add3A_58 {offsets = [5, 0, 0], sizes = [1, 512, 512], strides = [1, 1, 1]} : vector<8x512x512xf32> to vector<1x512x512xf32>
    %squeeze3A_128 = vector.shape_cast %slice3A_127 : vector<1x512x512xf32> to vector<512x512xf32>
    %slice3A_129 = vector.extract_strided_slice %transpose3A {offsets = [0, 5], sizes = [512, 1], strides = [1, 1]} : vector<512x8xf32> to vector<512x1xf32>
    %mul3A_130 = vector.broadcast %slice3A_129 : vector<512x1xf32> to vector<512x512xf32>
    %mul3A_131 = vector.broadcast %get3A_64 : vector<1x512xf32> to vector<512x512xf32>
    %mul3A_132 = arith.mulf %mul3A_130, %mul3A_131 : vector<512x512xf32>
    %add3A_133 = arith.addf %squeeze3A_128, %mul3A_132 : vector<512x512xf32>
    %swap3A_134 = arith.constant 5 : index
    %swap3A_135 = arith.constant 0 : index
    %swap3A_136 = arith.constant 0 : index
    %swap3A_137 = vector.load %arg7[%swap3A_134, %swap3A_135, %swap3A_136] : memref<8x512x512xf32, #tpu.memory_space<vmem>>, vector<1x512x512xf32>
    %swap3A_138 = vector.shape_cast %swap3A_137 : vector<1x512x512xf32> to vector<512x512xf32>
    %swap3A_139 = vector.shape_cast %add3A_133 : vector<512x512xf32> to vector<1x512x512xf32>
    tpu.vector_store %arg7[%swap3A_134, %swap3A_135, %swap3A_136], %swap3A_139 {strides = array<i32>} : memref<8x512x512xf32, #tpu.memory_space<vmem>>, vector<1x512x512xf32>,
    %slice3A_140 = vector.extract_strided_slice %add3A_58 {offsets = [6, 0, 0], sizes = [1, 512, 512], strides = [1, 1, 1]} : vector<8x512x512xf32> to vector<1x512x512xf32>
    %squeeze3A_141 = vector.shape_cast %slice3A_140 : vector<1x512x512xf32> to vector<512x512xf32>
    %slice3A_142 = vector.extract_strided_slice %transpose3A {offsets = [0, 6], sizes = [512, 1], strides = [1, 1]} : vector<512x8xf32> to vector<512x1xf32>
    %mul3A_143 = vector.broadcast %slice3A_142 : vector<512x1xf32> to vector<512x512xf32>
    %mul3A_144 = vector.broadcast %get3A_64 : vector<1x512xf32> to vector<512x512xf32>
    %mul3A_145 = arith.mulf %mul3A_143, %mul3A_144 : vector<512x512xf32>
    %add3A_146 = arith.addf %squeeze3A_141, %mul3A_145 : vector<512x512xf32>
    %swap3A_147 = arith.constant 6 : index
    %swap3A_148 = arith.constant 0 : index
    %swap3A_149 = arith.constant 0 : index
    %swap3A_150 = vector.load %arg7[%swap3A_147, %swap3A_148, %swap3A_149] : memref<8x512x512xf32, #tpu.memory_space<vmem>>, vector<1x512x512xf32>
    %swap3A_151 = vector.shape_cast %swap3A_150 : vector<1x512x512xf32> to vector<512x512xf32>
    %swap3A_152 = vector.shape_cast %add3A_146 : vector<512x512xf32> to vector<1x512x512xf32>
    tpu.vector_store %arg7[%swap3A_147, %swap3A_148, %swap3A_149], %swap3A_152 {strides = array<i32>} : memref<8x512x512xf32, #tpu.memory_space<vmem>>, vector<1x512x512xf32>,
    %slice3A_153 = vector.extract_strided_slice %add3A_58 {offsets = [7, 0, 0], sizes = [1, 512, 512], strides = [1, 1, 1]} : vector<8x512x512xf32> to vector<1x512x512xf32>
    %squeeze3A_154 = vector.shape_cast %slice3A_153 : vector<1x512x512xf32> to vector<512x512xf32>
    %slice3A_155 = vector.extract_strided_slice %transpose3A {offsets = [0, 7], sizes = [512, 1], strides = [1, 1]} : vector<512x8xf32> to vector<512x1xf32>
    %mul3A_156 = vector.broadcast %slice3A_155 : vector<512x1xf32> to vector<512x512xf32>
    %mul3A_157 = vector.broadcast %get3A_64 : vector<1x512xf32> to vector<512x512xf32>
    %mul3A_158 = arith.mulf %mul3A_156, %mul3A_157 : vector<512x512xf32>
    %add3A_159 = arith.addf %squeeze3A_154, %mul3A_158 : vector<512x512xf32>
    %swap3A_160 = arith.constant 7 : index
    %swap3A_161 = arith.constant 0 : index
    %swap3A_162 = arith.constant 0 : index
    %swap3A_163 = vector.load %arg7[%swap3A_160, %swap3A_161, %swap3A_162] : memref<8x512x512xf32, #tpu.memory_space<vmem>>, vector<1x512x512xf32>
    %swap3A_164 = vector.shape_cast %swap3A_163 : vector<1x512x512xf32> to vector<512x512xf32>
    %swap3A_165 = vector.shape_cast %add3A_159 : vector<512x512xf32> to vector<1x512x512xf32>
    tpu.vector_store %arg7[%swap3A_160, %swap3A_161, %swap3A_162], %swap3A_165 {strides = array<i32>} : memref<8x512x512xf32, #tpu.memory_space<vmem>>, vector<1x512x512xf32>,
    return
  }
  func.func @transform_1(%arg0: i32) -> (i32, i32, i32) {
    %c0_i32 = arith.constant 0 : i32
    %c0_i32_0 = arith.constant 0 : i32
    %c0_i32_1 = arith.constant 0 : i32
    return %arg0, %c0_i32, %c0_i32_0 : i32, i32, i32
  }
  func.func @transform_2(%arg0: i32) -> (i32, i32) {
    %add3A = arith.constant 16 : i32
    %add3A_0 = arith.addi %add3A, %arg0 : i32
    %c0_i32 = arith.constant 0 : i32
    %c0_i32_1 = arith.constant 0 : i32
    return %add3A_0, %c0_i32 : i32, i32
  }
  func.func @transform_3(%arg0: i32) -> (i32, i32) {
    %c0_i32 = arith.constant 0 : i32
    %c0_i32_0 = arith.constant 0 : i32
    %c0_i32_1 = arith.constant 0 : i32
    return %c0_i32, %c0_i32_0 : i32, i32
  }
  func.func @transform_4(%arg0: i32) -> (i32, i32) {
    %c0_i32 = arith.constant 0 : i32
    %c0_i32_0 = arith.constant 0 : i32
    %c0_i32_1 = arith.constant 0 : i32
    return %c0_i32, %c0_i32_0 : i32, i32
  }
  func.func @transform_5(%arg0: i32) -> (i32, i32) {
    %c0_i32 = arith.constant 0 : i32
    %c0_i32_0 = arith.constant 0 : i32
    %c0_i32_1 = arith.constant 0 : i32
    return %c0_i32, %c0_i32_0 : i32, i32
  }
  func.func @transform_6(%arg0: i32) -> (i32, i32, i32) {
    %add3A = arith.constant 16 : i32
    %add3A_0 = arith.addi %add3A, %arg0 : i32
    %c0_i32 = arith.constant 0 : i32
    %c0_i32_1 = arith.constant 0 : i32
    %c0_i32_2 = arith.constant 0 : i32
    return %add3A_0, %c0_i32, %c0_i32_1 : i32, i32, i32
  }
}

</mosaic_0001>

<sc_bundles>
// kernel: kernel.10.cloned.1.call-start
scs
__scs_entry_jumppad:
0x0: {  	(pc) =	sbr.rel $0x88, $3  }
0x1: {  	(tag) =	ssettag $0x0;
	lr =	simm.s32 $0x1  }
0x2: {  	[smem:$0x3F97] =	sst lr;
	_ =	strace $0xD0000000  }
0x3: {  	_ = 	snop  }
0x4: {  	_ = 	snop  }
0x5: {  	_ = 	snop  }
0x6: {  	_ = 	snop  }
0x7: {  	_ = 	snop  }
__scs_overlays_trampoline_lowered:
0x8: {  	[smem:$0x3FA6] =	sst s0  }
0x9: {  	[smem:$0x3FA7] =	sst s1  }
0xa: {  	[smem:$0x3FA8] =	sst s2  }
0xb: {  	[smem:$0x3FA9] =	sst s3  }
0xc: {  	[smem:$0x3FAA] =	sst s4  }
0xd: {  	[smem:$0x3FAB] =	sst s5  }
0xe: {  	[smem:$0x3FAC] =	sst s6  }
0xf: {  	[smem:$0x3FAD] =	sst s7  }
0x10: {  	[smem:$0x3FAE] =	sst s8  }
0x11: {  	[smem:$0x3FAF] =	sst s9;
	s0 =	simm.s32 @!p0 $0x0  }
0x12: {  	s1 =	sld [smem:$0x3F95];
	s0 =	simm.s32 @p0 $0x1  }
0x13: {  	[smem:$0x3FB0] =	sst s0;
	s0 =	simm.s32 @!p1 $0x0  }
0x14: {  	s2 =	sld [smem:$0x3F94];
	s0 =	simm.s32 @p1 $0x1  }
0x15: {  	[smem:$0x3FB1] =	sst s0;
	s0 =	simm.s32 @!p2 $0x0  }
0x16: {  	s3 =	sld [smem:$0x3FDB];
	s0 =	simm.s32 @p2 $0x1  }
0x17: {  	s4 =	simm.s32 $0x1BF5;
	[smem:$0x3FB3] =	sst s0  }
0x18: {  	s0 =	sld [smem:$0x3F96];
	_ =	swait.ge [sflag:s4], $0x0  }
0x19: {  	s7 =	sld [smem:$0x3F97]  }
0x1a: {  	s8 =	sadd.s32 $0xFFFFE003, lr  }
0x1b: {  	s9 =	sadd.s32 $0xFFFFFEF7, lr;
	s5 =	simm.s32 $0xFFFFFFFF;
	p2 =	slt.u32 s8, $0xFFFFF086  }
0x1c: {  	p1 =	slt.u32 s9, $0xF7A;
	s5 =	simm.s32 @!p2 $0x0  }
0x1d: {  	s5 =	simm.s32 @p1 $0x1;
	p0 =	seq.s32 s7, s2  }
0x1e: {  	s7 =	smul.u32 @!p0 $0xF7A, s2;
	p2 =	seq.s32 @!p0 s5, $0x0  }
0x1f: {  	s9 =	smul.u32 $0xF7A, s1;
	s8 =	simm.s32 @!p0 $0x1BF5;
	p2 =	por !p2, p0  }
0x20: {  	[sflag:s8] =	ssyncset.s32 @!p0 $0xFFFFF086;
	s6 =	sadd.s32 @!p0 s3, s7;
	s7 =	simm.s32 @!p0 $0x108  }
0x21: {  	s3 =	sadd.s32 s3, s9;
	s6 =	sadd.s32 @!p0 $0x88, s6;
	s7 =	simm.s32 @p2 $0x1082  }
0x22: {  	[simem:s7], [sflag:s8] =	dma.local @!p0 [hbm:s6], $0xF7A  }
0x23: {  	s9 =	sor.u32 $0xD0000000, s2;
	s6 =	simm.s32 $0x108;
	_ =	swait.ge @!p0 [sflag:s8], $0x0  }
0x24: {  	s3 =	sadd.s32 $0x88, s3;
	s6 =	simm.s32 @!p1 $0x1082;
	[sflag:s4] =	ssyncset.s32 $0xFFFFF086  }
0x25: {  	[simem:s6], [sflag:s4] =	dma.local [hbm:s3], $0xF7A  }
0x26: {  	[smem:$0x3F97] =	sst s1;
	(tag) =	ssettag s2;
	_ =	strace s9  }
0x27: {  	s1 =	sld [smem:$0x3FA7]  }
0x28: {  	s2 =	sld [smem:$0x3FA8]  }
0x29: {  	s4 =	sld [smem:$0x3FAA]  }
0x2a: {  	p0 =	seq.s32 s5, $0x0;
	s5 =	sld [smem:$0x3FAB]  }
0x2b: {  	s6 =	sld [smem:$0x3FAC]  }
0x2c: {  	s7 =	sld [smem:$0x3FAD]  }
0x2d: {  	s3 =	simm.s32 $0x108;
	s8 =	sld [smem:$0x3FAE]  }
0x2e: {  	s3 =	simm.s32 @!p0 $0x1082;
	s9 =	sld [smem:$0x3FAF]  }
0x2f: {  	lr =	sadd.s32 s0, s3;
	s0 =	sld [smem:$0x3FA6]  }
0x30: {  	s3 =	sld [smem:$0x3FA9]  }
0x31: {  	[smem:$0x3FB2] =	sst s10  }
0x32: {  	s10 =	sld [smem:$0x3FB0];
	_ =	sdelay $0x3  }
0x33: {  	p0 =	seq.s32 s10, $0x1;
	s10 =	sld [smem:$0x3FB2];
	_ =	sdelay $0x3  }
0x34: {  	[smem:$0x3FB2] =	sst s10  }
0x35: {  	s10 =	sld [smem:$0x3FB1];
	_ =	sdelay $0x3  }
0x36: {  	p1 =	seq.s32 s10, $0x1;
	s10 =	sld [smem:$0x3FB2];
	_ =	sdelay $0x3  }
0x37: {  	[smem:$0x3FB2] =	sst s10  }
0x38: {  	s10 =	sld [smem:$0x3FB3]  }
0x39: {  	_ = 	snop;
	(pc) =	sbr.ind lr, $3  }
0x3a: {  	_ = 	snop  }
0x3b: {  	_ = 	snop  }
0x3c: {  	p2 =	seq.s32 s10, $0x1;
	s10 =	sld [smem:$0x3FB2]  }
0x3d: {  	_ =	shalt  }
0x3e: {  	_ =	shalt  }
0x3f: {  	_ =	shalt  }
0x40: {  	_ =	shalt  }
0x41: {  	_ =	shalt  }
0x42: {  	_ =	shalt  }
0x43: {  	_ =	shalt  }
0x44: {  	_ =	shalt  }
0x45: {  	_ =	shalt  }
0x46: {  	_ =	shalt  }
0x47: {  	_ =	shalt  }
0x48: {  	_ =	shalt  }
0x49: {  	_ =	shalt  }
0x4a: {  	_ =	shalt  }
0x4b: {  	_ =	shalt  }
0x4c: {  	_ =	shalt  }
0x4d: {  	_ =	shalt  }
0x4e: {  	_ =	shalt  }
0x4f: {  	_ =	shalt  }
0x50: {  	_ =	shalt  }
0x51: {  	_ =	shalt  }
0x52: {  	_ =	shalt  }
0x53: {  	_ =	shalt  }
0x54: {  	_ =	shalt  }
0x55: {  	_ =	shalt  }
0x56: {  	_ =	shalt  }
0x57: {  	_ =	shalt  }
0x58: {  	_ =	shalt  }
0x59: {  	_ =	shalt  }
0x5a: {  	_ =	shalt  }
0x5b: {  	_ =	shalt  }
0x5c: {  	_ =	shalt  }
0x5d: {  	_ =	shalt  }
0x5e: {  	_ =	shalt  }
0x5f: {  	_ =	shalt  }
0x60: {  	_ =	shalt  }
0x61: {  	_ =	shalt  }
0x62: {  	_ =	shalt  }
0x63: {  	_ =	shalt  }
0x64: {  	_ =	shalt  }
0x65: {  	_ =	shalt  }
0x66: {  	_ =	shalt  }
0x67: {  	_ =	shalt  }
0x68: {  	_ =	shalt  }
0x69: {  	_ =	shalt  }
0x6a: {  	_ =	shalt  }
0x6b: {  	_ =	shalt  }
0x6c: {  	_ =	shalt  }
0x6d: {  	_ =	shalt  }
0x6e: {  	_ =	shalt  }
0x6f: {  	_ =	shalt  }
0x70: {  	_ =	shalt  }
0x71: {  	_ =	shalt  }
0x72: {  	_ =	shalt  }
0x73: {  	_ =	shalt  }
0x74: {  	_ =	shalt  }
0x75: {  	_ =	shalt  }
0x76: {  	_ =	shalt  }
0x77: {  	_ =	shalt  }
0x78: {  	_ =	shalt  }
0x79: {  	_ =	shalt  }
0x7a: {  	_ =	shalt  }
0x7b: {  	_ =	shalt  }
0x7c: {  	_ =	shalt  }
0x7d: {  	_ =	shalt  }
0x7e: {  	_ =	shalt  }
0x7f: {  	_ =	shalt  }
0x80: {  	_ =	shalt  }
0x81: {  	_ =	shalt  }
0x82: {  	_ =	shalt  }
0x83: {  	_ =	shalt  }
0x84: {  	_ =	shalt  }
0x85: {  	_ =	shalt  }
0x86: {  	_ =	shalt  }
0x87: {  	_ =	shalt  }
.Lfunc_end0:
.L_simem_size_0:
called_computation_lowered:
.L_overlay_start_0:
0x88: {  	s2 =	sld [smem:$0x3FD9]  }
0x89: {  	s3 =	sld [smem:$0x3FFE];
	_ =	sdelay $0x1  }
0x8a: {  	s1 =	srdreg.scid  }
0x8b: {  	s0 =	sand.u32 $0x1, s1  }
0x8c: {  	s17 =	sshll.u32 s0, $0xA;
	s2 =	sadd.s32 s3, s2  }
0x8d: {  	s2 =	sadd.s32 s2, s17  }
0x8e: {  	[smem:$0x3FBE] =	sst s2  }
0x8f: {  	_ = 	snop  }
0x90: {  	s2 =	sld [smem:$0x3FC6]  }
0x91: {  	s18 =	sld [smem:$0x3FD0];
	(tm) =	ssettm $0x1  }
0x92: {  	s4 =	sld [smem:$0x3FFB];
	_ =	sdelay $0x3  }
0x93: {  	_ =	strace s4  }
0x94: {  	s4 =	sld [smem:$0x3FFC];
	_ =	sdelay $0x3  }
0x95: {  	_ =	strace s4  }
0x96: {  	s4 =	sld [smem:$0x3FFD];
	_ =	sdelay $0x3  }
0x97: {  	_ =	strace s4  }
0x98: {  	_ =	strace $0x8FFFFFFF  }
0x99: {  	s19 =	sld [smem:$0x3FDB];
	_ =	sdelay $0x1  }
0x9a: {  	s5 =	simm.s32 $_scs_section_size  }
0x9b: {  	s6 =	simm.s32 $_size__tile_overlayer_lowered;
	s7 =	simm.s32 $_tile_overlayer_lowered  }
0x9c: {  	s22 =	simm.s32 $0x1BFF;
	s21 =	sshll.u32 s7, $0x1;
	s4 =	sadd.s32 s5, s19  }
0x9d: {  	s8 =	simm.s32 $0x0;
	s20 =	sshll.u32 s6, $0x1;
	s6 =	sadd.s32 s21, s4  }
0x9e: {  	[timem:s8], [sflag:s22] =	dma.local [hbm:s6], s20  }
0x9f: {  	_ =	swait.ge [sflag:s22], s20  }
0xa0: {  	s5 =	ssub.s32 $0x0, s20;
	[sflag:s22] =	ssyncset.done $0x0  }
0xa1: {  	[sflag:s22] =	ssyncadd.s32 s5;
	_ =	sdelay $0x1  }
0xa2: {  	s23 =	simm.s32 $0x1B8B  }
0xa3: {  	_ =	swait.ge [sflag:s23], $0x1  }
0xa4: {  	[sflag:s23] =	ssyncset.done $0x0  }
0xa5: {  	s25 =	simm.s32 $0x1B8E;
	s24 =	sld [smem:$0x3FFE];
	[sflag:s23] =	ssyncadd.s32 $0xFFFFFFFF  }
0xa6: {  	s26 =	simm.s32 $execute0_lowered;
	[smem:$0x3FD2] =	sst s25  }
0xa7: {  	s6 =	sshll.u32 s26, $0x1;
	_ =	strace $0x80000046;
	[dreg:$0x1] =	wrdreg $0xFFFFFFFF  }
0xa8: {  	s28 =	simm.s32 $_size_execute0_lowered;
	s4 =	sadd.s32 s4, s6;
	[dreg:$0x0] =	wrdreg $0x0  }
0xa9: {  	s6 =	sshll.u32 s28, $0x1;
	[dreg:$0x2] =	wrdreg s4  }
0xaa: {  	[dreg:$0x3] =	wrdreg s6  }
0xab: {  	[dreg:$0x4] =	wrdreg $0xC0  }
0xac: {  	_ =	task [dreg:s8], $0x5FFFF  }
0xad: {  	[dreg:$0x1] =	wrdreg $0xFFFFFFFF  }
0xae: {  	[dreg:$0x0] =	wrdreg $0x60  }
0xaf: {  	[dreg:$0x2] =	wrdreg s2  }
0xb0: {  	[dreg:$0x3] =	wrdreg s24  }
0xb1: {  	[dreg:$0x4] =	wrdreg s18  }
0xb2: {  	[dreg:$0x5] =	wrdreg $0x9  }
0xb3: {  	_ =	task.clear_ibuf [dreg:s8], $0x6FFFF;
	_ =	strace $0x90000046  }
0xb4: {  	s29 =	simm.s32 $0x9;
	_ =	strace $0x80000048  }
0xb5: {  	_ =	swait.ge [sflag:s29], $0x1  }
0xb6: {  	[sflag:s29] =	ssyncadd.s32 $0xFFFFFFFF  }
0xb7: {  	_ =	strace $0x90000048  }
0xb8: {  	_ =	sfence  }
0xb9: {  	s30 =	sld [smem:$0x0];
	_ =	sdelay $0x2  }
0xba: {  	s31 =	sshll.u32 s1, $0xD;
	s1 =	sshrl.u32 s1, $0x2  }
0xbb: {  	s3 =	sand.u32 $0x4000, s31;
	s1 =	sadd.s32 s1, s30  }
0xbc: {  	s0 =	sor.u32 s3, s0;
	s1 =	sshll.u32 s1, $0x11  }
0xbd: {  	s0 =	sor.u32 s1, s0  }
0xbe: {  	s0 =	sadd.s32 $0x8F2B, s0  }
0xbf: {  	[sflag:s0] =	ssyncadd.remote.s32 $0x1  }
0xc0: {  	_ =	sfence.sel $0xFFFF  }
0xc1: {  	[dreg:$0x0] =	wrdreg $0xFFFFFFFF;
	(pc) =	sbr.abs _section_cstart, $3  }
0xc2: {  	[dreg:$0x1] =	wrdreg $0xFFFFFFFF  }
0xc3: {  	_ =	task.clear_ibuf [dreg:s8], $0x2FFFF;
	_ =	strace $0x9FFFFFFF  }
0xc4: {  	(tm) =	ssettm $0x7FFFFFFF  }
0xc5: {  	_ =	shalt  }
tec
execute0_lowered:
.L_overlay_start_1:
0x0: {  	(tag) =	ssettag $0x1  }
0x1: {  	s1 =	rddreg [dreg:$0x0]  }
0x2: {  	s2 =	srdreg.scid;
	s0 =	stileid.u32  }
0x3: {  	s4 =	rddreg [dreg:$0x1];
	s6 =	sand.u32 $0x1, s2;
	s30 =	sshll.u32 s0, $0x1  }
0x4: {  	s8 =	rddreg [dreg:$0x2];
	s3 =	simm.s32 $0x0;
	s9 =	sor.u32 s6, s30  }
0x5: {  	[smem:$0x7FF] =	sst s3;
	s5 =	sshll.u32 s9, $0x6  }
0x6: {  	s2 =	rddreg [dreg:$0x3];
	_ =	strace $0x80000047;
	s4 =	sadd.s32 s5, s4  }
0x7: {  	s10 =	ssub.s32 $0x2, s6;
	s5 =	sadd.s32 $0x2C00, s4;
	s4 =	simm.s32 $0x2  }
0x8: {  	[tilespmem:s3], [sflag:$0x2] =	stream.linear.gather [hbm4b:s5+s3], $0x200, $0x38;
	[tilespmem:$0x10200] =	vst v63  }
0x9: {  	s11 =	sshrl.u32 s10, $0x1;
	_ =	swait.ge [sflag:s4], $0x200  }
0xa: {  	s7 =	simm.s32 $0x1;
	s10 =	ssub.s32 s10, s11;
	[sflag:s4] =	ssyncset.done $0x0  }
0xb: {  	s6 =	simm.s32 $0x200;
	s31 =	smax.u32 s10, $0x1;
	[sflag:s4] =	ssyncadd.s32 $0xFFFFFE00  }
0xc: {  	[tilespmem:s6], [sflag:$0x1] =	stream.indirect.gather [hbm4b:s1+s6], $0x80, s3, s6, $0xb8;
	[tilespmem:$0x10200] =	vst v63  }
0xd: {  	p0 =	sne.s32 s31, $0x1;
	_ =	swait.ge [sflag:s7], $0x10000  }
.Ltmp0:
0xe: {  	s9 =	sshll.u32 s9, $0xD;
	[sflag:s7] =	ssyncset.done $0x0;
	(pc) =	sbr.rel @!p0 .LBB2_2-.Ltmp0, $4  }
0xf: {  	s8 =	sadd.s32 s8, s9;
	[sflag:s7] =	ssyncadd.s32 $0xFFFF0000  }
0x10: {  	[hbm4b:s8+s3] =	stream.linear.scatter [tilespmem:s6], [sflag:$0x2], $0x10000, $0x38;
	[tilespmem:$0x10200] =	vst v63  }
0x11: {  	_ =	swait.ge [sflag:s4], $0x10000  }
0x12: {  	s9 =	sadd.s32 $0xFFFFFFFF, s31;
	[sflag:s4] =	ssyncset.done $0x0  }
.LBB2_1:
0x13: {  	p0 =	sne.s32 s9, $0x1;
	s9 =	sadd.s32 $0xFFFFFFFF, s9;
	[sflag:s4] =	ssyncadd.s32 $0xFFFF0000  }
0x14: {  	[tilespmem:s3], [sflag:$0x2] =	stream.linear.gather [hbm4b:s5+s3], $0x200, $0x38;
	[tilespmem:$0x10200] =	vst v63  }
0x15: {  	_ =	swait.ge [sflag:s4], $0x200  }
0x16: {  	[sflag:s4] =	ssyncset.done $0x0  }
0x17: {  	[sflag:s4] =	ssyncadd.s32 $0xFFFFFE00  }
0x18: {  	[tilespmem:s6], [sflag:$0x1] =	stream.indirect.gather [hbm4b:s1+s6], $0x80, s3, s6, $0xb8;
	[tilespmem:$0x10200] =	vst v63  }
0x19: {  	_ =	swait.ge [sflag:s7], $0x10000  }
.Ltmp1:
0x1a: {  	[sflag:s7] =	ssyncset.done $0x0;
	(pc) =	sbr.rel @p0 .LBB2_1-.Ltmp1, $4  }
0x1b: {  	[sflag:s7] =	ssyncadd.s32 $0xFFFF0000  }
0x1c: {  	[hbm4b:s8+s3] =	stream.linear.scatter [tilespmem:s6], [sflag:$0x2], $0x10000, $0x38;
	[tilespmem:$0x10200] =	vst v63  }
0x1d: {  	_ =	swait.ge [sflag:s4], $0x10000  }
0x1e: {  	[sflag:s4] =	ssyncset.done $0x0  }
.LBB2_2:
0x1f: {  	[sflag:s4] =	ssyncadd.s32 $0xFFFF0000  }
0x20: {  	_ =	sfence.sel $0x180000  }
0x21: {  	[bflag:$0x0] =	sbarrier.arrive $0xFFFF  }
0x22: {  	p0 =	sne.s32 s0, $0x0;
	_ =	strace $0x90000047  }
0x23: {  	s0 =	sadd.s32 @!p0 $0x100000, s2;
	[bflag:$0x2] =	sbarrier.arrive $0xFFFF  }
0x24: {  	[sflag:s0] =	ssyncadd.tile.s32 @!p0 $0x1;
	_ =	shalt  }
.Lfunc_end2:
_tile_overlayer_lowered:
.L_overlay_start_2:
0x25: {  	(tag) =	ssettag $0x2  }
0x26: {  	s0 =	rddreg [dreg:$0x0];
	s2 =	stileid.u32  }
0x27: {  	s1 =	rddreg [dreg:$0x1];
	p0 =	sne.s32 s2, $0x0  }
0x28: {  	s3 =	rddreg [dreg:$0x2];
	[bflag:$0x3] =	sbarrier.arrive $0xFFFF;
	s2 =	simm.s32 @!p0 $0x1C02  }
0x29: {  	[timem:s3], [sflag:s2] =	dma.local @!p0 [hbm:s0], s1  }
0x2a: {  	s0 =	simm.s32 @!p0 $0x2  }
0x2b: {  	_ =	swait.ge @!p0 [sflag:s0], s1  }
0x2c: {  	s1 =	ssub.s32 @!p0 $0x0, s1;
	[sflag:s0] =	ssyncset.done @!p0 $0x0  }
0x2d: {  	[sflag:s0] =	ssyncadd.s32 @!p0 s1  }
0x2e: {  	[bflag:$0x3] =	sbarrier.arrive $0xFFFF  }
0x2f: {  	_ =	shalt  }

// kernel: kernel.13.cloned.1.call-start
scs
__scs_entry_jumppad:
0x0: {  	(pc) =	sbr.rel $0x88, $3  }
0x1: {  	(tag) =	ssettag $0x0;
	lr =	simm.s32 $0x1  }
0x2: {  	[smem:$0x3F97] =	sst lr;
	_ =	strace $0xD0000000  }
0x3: {  	_ = 	snop  }
0x4: {  	_ = 	snop  }
0x5: {  	_ = 	snop  }
0x6: {  	_ = 	snop  }
0x7: {  	_ = 	snop  }
__scs_overlays_trampoline_lowered:
0x8: {  	[smem:$0x3FA6] =	sst s0  }
0x9: {  	[smem:$0x3FA7] =	sst s1  }
0xa: {  	[smem:$0x3FA8] =	sst s2  }
0xb: {  	[smem:$0x3FA9] =	sst s3  }
0xc: {  	[smem:$0x3FAA] =	sst s4  }
0xd: {  	[smem:$0x3FAB] =	sst s5  }
0xe: {  	[smem:$0x3FAC] =	sst s6  }
0xf: {  	[smem:$0x3FAD] =	sst s7  }
0x10: {  	[smem:$0x3FAE] =	sst s8  }
0x11: {  	[smem:$0x3FAF] =	sst s9;
	s0 =	simm.s32 @!p0 $0x0  }
0x12: {  	s1 =	sld [smem:$0x3F95];
	s0 =	simm.s32 @p0 $0x1  }
0x13: {  	[smem:$0x3FB0] =	sst s0;
	s0 =	simm.s32 @!p1 $0x0  }
0x14: {  	s2 =	sld [smem:$0x3F94];
	s0 =	simm.s32 @p1 $0x1  }
0x15: {  	[smem:$0x3FB1] =	sst s0;
	s0 =	simm.s32 @!p2 $0x0  }
0x16: {  	s3 =	sld [smem:$0x3FDB];
	s0 =	simm.s32 @p2 $0x1  }
0x17: {  	s4 =	simm.s32 $0x1BF5;
	[smem:$0x3FB3] =	sst s0  }
0x18: {  	s0 =	sld [smem:$0x3F96];
	_ =	swait.ge [sflag:s4], $0x0  }
0x19: {  	s7 =	sld [smem:$0x3F97]  }
0x1a: {  	s8 =	sadd.s32 $0xFFFFE003, lr  }
0x1b: {  	s9 =	sadd.s32 $0xFFFFFEF7, lr;
	s5 =	simm.s32 $0xFFFFFFFF;
	p2 =	slt.u32 s8, $0xFFFFF086  }
0x1c: {  	p1 =	slt.u32 s9, $0xF7A;
	s5 =	simm.s32 @!p2 $0x0  }
0x1d: {  	s5 =	simm.s32 @p1 $0x1;
	p0 =	seq.s32 s7, s2  }
0x1e: {  	s7 =	smul.u32 @!p0 $0xF7A, s2;
	p2 =	seq.s32 @!p0 s5, $0x0  }
0x1f: {  	s9 =	smul.u32 $0xF7A, s1;
	s8 =	simm.s32 @!p0 $0x1BF5;
	p2 =	por !p2, p0  }
0x20: {  	[sflag:s8] =	ssyncset.s32 @!p0 $0xFFFFF086;
	s6 =	sadd.s32 @!p0 s3, s7;
	s7 =	simm.s32 @!p0 $0x108  }
0x21: {  	s3 =	sadd.s32 s3, s9;
	s6 =	sadd.s32 @!p0 $0x88, s6;
	s7 =	simm.s32 @p2 $0x1082  }
0x22: {  	[simem:s7], [sflag:s8] =	dma.local @!p0 [hbm:s6], $0xF7A  }
0x23: {  	s9 =	sor.u32 $0xD0000000, s2;
	s6 =	simm.s32 $0x108;
	_ =	swait.ge @!p0 [sflag:s8], $0x0  }
0x24: {  	s3 =	sadd.s32 $0x88, s3;
	s6 =	simm.s32 @!p1 $0x1082;
	[sflag:s4] =	ssyncset.s32 $0xFFFFF086  }
0x25: {  	[simem:s6], [sflag:s4] =	dma.local [hbm:s3], $0xF7A  }
0x26: {  	[smem:$0x3F97] =	sst s1;
	(tag) =	ssettag s2;
	_ =	strace s9  }
0x27: {  	s1 =	sld [smem:$0x3FA7]  }
0x28: {  	s2 =	sld [smem:$0x3FA8]  }
0x29: {  	s4 =	sld [smem:$0x3FAA]  }
0x2a: {  	p0 =	seq.s32 s5, $0x0;
	s5 =	sld [smem:$0x3FAB]  }
0x2b: {  	s6 =	sld [smem:$0x3FAC]  }
0x2c: {  	s7 =	sld [smem:$0x3FAD]  }
0x2d: {  	s3 =	simm.s32 $0x108;
	s8 =	sld [smem:$0x3FAE]  }
0x2e: {  	s3 =	simm.s32 @!p0 $0x1082;
	s9 =	sld [smem:$0x3FAF]  }
0x2f: {  	lr =	sadd.s32 s0, s3;
	s0 =	sld [smem:$0x3FA6]  }
0x30: {  	s3 =	sld [smem:$0x3FA9]  }
0x31: {  	[smem:$0x3FB2] =	sst s10  }
0x32: {  	s10 =	sld [smem:$0x3FB0];
	_ =	sdelay $0x3  }
0x33: {  	p0 =	seq.s32 s10, $0x1;
	s10 =	sld [smem:$0x3FB2];
	_ =	sdelay $0x3  }
0x34: {  	[smem:$0x3FB2] =	sst s10  }
0x35: {  	s10 =	sld [smem:$0x3FB1];
	_ =	sdelay $0x3  }
0x36: {  	p1 =	seq.s32 s10, $0x1;
	s10 =	sld [smem:$0x3FB2];
	_ =	sdelay $0x3  }
0x37: {  	[smem:$0x3FB2] =	sst s10  }
0x38: {  	s10 =	sld [smem:$0x3FB3]  }
0x39: {  	_ = 	snop;
	(pc) =	sbr.ind lr, $3  }
0x3a: {  	_ = 	snop  }
0x3b: {  	_ = 	snop  }
0x3c: {  	p2 =	seq.s32 s10, $0x1;
	s10 =	sld [smem:$0x3FB2]  }
0x3d: {  	_ =	shalt  }
0x3e: {  	_ =	shalt  }
0x3f: {  	_ =	shalt  }
0x40: {  	_ =	shalt  }
0x41: {  	_ =	shalt  }
0x42: {  	_ =	shalt  }
0x43: {  	_ =	shalt  }
0x44: {  	_ =	shalt  }
0x45: {  	_ =	shalt  }
0x46: {  	_ =	shalt  }
0x47: {  	_ =	shalt  }
0x48: {  	_ =	shalt  }
0x49: {  	_ =	shalt  }
0x4a: {  	_ =	shalt  }
0x4b: {  	_ =	shalt  }
0x4c: {  	_ =	shalt  }
0x4d: {  	_ =	shalt  }
0x4e: {  	_ =	shalt  }
0x4f: {  	_ =	shalt  }
0x50: {  	_ =	shalt  }
0x51: {  	_ =	shalt  }
0x52: {  	_ =	shalt  }
0x53: {  	_ =	shalt  }
0x54: {  	_ =	shalt  }
0x55: {  	_ =	shalt  }
0x56: {  	_ =	shalt  }
0x57: {  	_ =	shalt  }
0x58: {  	_ =	shalt  }
0x59: {  	_ =	shalt  }
0x5a: {  	_ =	shalt  }
0x5b: {  	_ =	shalt  }
0x5c: {  	_ =	shalt  }
0x5d: {  	_ =	shalt  }
0x5e: {  	_ =	shalt  }
0x5f: {  	_ =	shalt  }
0x60: {  	_ =	shalt  }
0x61: {  	_ =	shalt  }
0x62: {  	_ =	shalt  }
0x63: {  	_ =	shalt  }
0x64: {  	_ =	shalt  }
0x65: {  	_ =	shalt  }
0x66: {  	_ =	shalt  }
0x67: {  	_ =	shalt  }
0x68: {  	_ =	shalt  }
0x69: {  	_ =	shalt  }
0x6a: {  	_ =	shalt  }
0x6b: {  	_ =	shalt  }
0x6c: {  	_ =	shalt  }
0x6d: {  	_ =	shalt  }
0x6e: {  	_ =	shalt  }
0x6f: {  	_ =	shalt  }
0x70: {  	_ =	shalt  }
0x71: {  	_ =	shalt  }
0x72: {  	_ =	shalt  }
0x73: {  	_ =	shalt  }
0x74: {  	_ =	shalt  }
0x75: {  	_ =	shalt  }
0x76: {  	_ =	shalt  }
0x77: {  	_ =	shalt  }
0x78: {  	_ =	shalt  }
0x79: {  	_ =	shalt  }
0x7a: {  	_ =	shalt  }
0x7b: {  	_ =	shalt  }
0x7c: {  	_ =	shalt  }
0x7d: {  	_ =	shalt  }
0x7e: {  	_ =	shalt  }
0x7f: {  	_ =	shalt  }
0x80: {  	_ =	shalt  }
0x81: {  	_ =	shalt  }
0x82: {  	_ =	shalt  }
0x83: {  	_ =	shalt  }
0x84: {  	_ =	shalt  }
0x85: {  	_ =	shalt  }
0x86: {  	_ =	shalt  }
0x87: {  	_ =	shalt  }
.Lfunc_end0:
.L_simem_size_0:
called_computation.1_lowered:
.L_overlay_start_0:
0x88: {  	s2 =	sld [smem:$0x3FD9]  }
0x89: {  	s3 =	sld [smem:$0x3FFE];
	_ =	sdelay $0x1  }
0x8a: {  	s1 =	srdreg.scid  }
0x8b: {  	s0 =	sand.u32 $0x1, s1  }
0x8c: {  	s17 =	sshll.u32 s0, $0xA;
	s2 =	sadd.s32 s3, s2  }
0x8d: {  	s2 =	sadd.s32 s2, s17  }
0x8e: {  	[smem:$0x3FBE] =	sst s2  }
0x8f: {  	_ = 	snop  }
0x90: {  	s18 =	sld [smem:$0x3FC6];
	(tm) =	ssettm $0x1  }
0x91: {  	s19 =	sld [smem:$0x3FFB];
	_ =	sdelay $0x3  }
0x92: {  	_ =	strace s19  }
0x93: {  	s2 =	sld [smem:$0x3FFC];
	_ =	sdelay $0x3  }
0x94: {  	_ =	strace s2  }
0x95: {  	s2 =	sld [smem:$0x3FFD];
	_ =	sdelay $0x3  }
0x96: {  	_ =	strace s2  }
0x97: {  	_ =	strace $0x8FFFFFFF  }
0x98: {  	s20 =	sld [smem:$0x3FDB];
	_ =	sdelay $0x1  }
0x99: {  	s4 =	simm.s32 $_scs_section_size  }
0x9a: {  	s5 =	simm.s32 $_size__tile_overlayer_lowered;
	s6 =	simm.s32 $_tile_overlayer_lowered  }
0x9b: {  	s7 =	simm.s32 $0x1BFF;
	s21 =	sshll.u32 s6, $0x1;
	s4 =	sadd.s32 s4, s20  }
0x9c: {  	s22 =	simm.s32 $0x0;
	s5 =	sshll.u32 s5, $0x1;
	s6 =	sadd.s32 s21, s4  }
0x9d: {  	[timem:s22], [sflag:s7] =	dma.local [hbm:s6], s5  }
0x9e: {  	_ =	swait.ge [sflag:s7], s5  }
0x9f: {  	s5 =	ssub.s32 $0x0, s5;
	[sflag:s7] =	ssyncset.done $0x0  }
0xa0: {  	[sflag:s7] =	ssyncadd.s32 s5;
	_ =	sdelay $0x1  }
0xa1: {  	s23 =	simm.s32 $0x1B8B  }
0xa2: {  	_ =	swait.ge [sflag:s23], $0x1  }
0xa3: {  	[sflag:s23] =	ssyncset.done $0x0  }
0xa4: {  	[sflag:s23] =	ssyncadd.s32 $0xFFFFFFFF  }
0xa5: {  	s5 =	sld [smem:$0x0]  }
0xa6: {  	s6 =	sand.u32 $0xFFFFFFFE, s1  }
0xa7: {  	p0 =	sne.s32 s1, s6  }
0xa8: {  	s6 =	sshll.u32 @p0 s6, $0xE  }
0xa9: {  	s6 =	sadd.s32 @p0 $0x11B8D, s6;
	s7 =	sshll.u32 @p0 s5, $0x11  }
0xaa: {  	s6 =	sor.u32 @p0 s7, s6  }
0xab: {  	[sflag:s6] =	ssyncadd.remote.s32 @p0 $0x1;
	_ =	sdelay $0x1  }
0xac: {  	s6 =	simm.s32 @p0 $0x1B8D  }
0xad: {  	_ =	swait.eq @p0 [sflag:s6], $0x1  }
0xae: {  	[sflag:s6] =	ssyncadd.s32 @p0 $0xFFFFFFFF  }
0xaf: {  	s7 =	sshll.u32 @!p0 s1, $0xE  }
0xb0: {  	s7 =	sor.u32 @!p0 $0x4000, s7;
	s6 =	simm.s32 @!p0 $0x1B8D  }
0xb1: {  	s5 =	sshll.u32 @!p0 s5, $0x11;
	s7 =	sadd.s32 @!p0 $0x11B8D, s7;
	_ =	swait.eq @!p0 [sflag:s6], $0x1  }
0xb2: {  	s5 =	sor.u32 @!p0 s5, s7;
	[sflag:s6] =	ssyncadd.s32 @!p0 $0xFFFFFFFF  }
0xb3: {  	s25 =	simm.s32 $0x1B8E;
	s24 =	sld [smem:$0x3FFE];
	[sflag:s5] =	ssyncadd.remote.s32 @!p0 $0x1  }
0xb4: {  	s26 =	simm.s32 $execute0_lowered;
	[smem:$0x3FD2] =	sst s25  }
0xb5: {  	s6 =	sshll.u32 s26, $0x1;
	_ =	strace $0x80000049;
	[dreg:$0x1] =	wrdreg $0xFFFFFFFF  }
0xb6: {  	s28 =	simm.s32 $_size_execute0_lowered;
	s4 =	sadd.s32 s4, s6;
	[dreg:$0x0] =	wrdreg $0x0  }
0xb7: {  	s6 =	sshll.u32 s28, $0x1;
	[dreg:$0x2] =	wrdreg s4  }
0xb8: {  	[dreg:$0x3] =	wrdreg s6  }
0xb9: {  	[dreg:$0x4] =	wrdreg $0xC0  }
0xba: {  	_ =	task [dreg:s22], $0x5FFFF  }
0xbb: {  	[dreg:$0x1] =	wrdreg $0xFFFFFFFF  }
0xbc: {  	[dreg:$0x0] =	wrdreg $0x60  }
0xbd: {  	[dreg:$0x2] =	wrdreg s18  }
0xbe: {  	[dreg:$0x3] =	wrdreg s24  }
0xbf: {  	[dreg:$0x4] =	wrdreg $0xA  }
0xc0: {  	_ =	task.clear_ibuf [dreg:s22], $0x5FFFF;
	_ =	strace $0x90000049  }
0xc1: {  	s29 =	simm.s32 $0xA;
	_ =	strace $0x8000004B  }
0xc2: {  	_ =	swait.ge [sflag:s29], $0x1  }
0xc3: {  	[sflag:s29] =	ssyncadd.s32 $0xFFFFFFFF  }
0xc4: {  	_ =	strace $0x9000004B  }
0xc5: {  	_ =	sfence  }
0xc6: {  	s30 =	sld [smem:$0x0];
	_ =	sdelay $0x2  }
0xc7: {  	s31 =	sshll.u32 s1, $0xD;
	s1 =	sshrl.u32 s1, $0x2  }
0xc8: {  	s4 =	sand.u32 $0x4000, s31;
	s1 =	sadd.s32 s1, s30  }
0xc9: {  	s0 =	sor.u32 s4, s0;
	s1 =	sshll.u32 s1, $0x11  }
0xca: {  	s0 =	sor.u32 s1, s0  }
0xcb: {  	s0 =	sadd.s32 $0x8F2B, s0  }
0xcc: {  	[sflag:s0] =	ssyncadd.remote.s32 $0x1  }
0xcd: {  	_ =	sfence.sel $0xFFFF  }
0xce: {  	[dreg:$0x0] =	wrdreg $0xFFFFFFFF;
	(pc) =	sbr.abs _section_cstart, $3  }
0xcf: {  	[dreg:$0x1] =	wrdreg $0xFFFFFFFF  }
0xd0: {  	_ =	task.clear_ibuf [dreg:s22], $0x2FFFF;
	_ =	strace $0x9FFFFFFF  }
0xd1: {  	(tm) =	ssettm $0x7FFFFFFF  }
tec
execute0_lowered:
.L_overlay_start_1:
0x0: {  	(tag) =	ssettag $0x1  }
0x1: {  	s1 =	srdreg.scid;
	s0 =	stileid.u32  }
0x2: {  	s2 =	rddreg [dreg:$0x0];
	s6 =	sand.u32 $0x1, s1;
	s30 =	sshll.u32 s0, $0x1  }
0x3: {  	s8 =	rddreg [dreg:$0x1];
	s3 =	simm.s32 $0x0;
	s9 =	sor.u32 s6, s30  }
0x4: {  	s7 =	simm.s32 $0x1;
	[smem:$0x7FF] =	sst s3;
	s4 =	sshll.u32 s9, $0x6  }
0x5: {  	s1 =	rddreg [dreg:$0x2];
	_ =	strace $0x8000004A;
	s4 =	sadd.s32 s4, s8  }
0x6: {  	s10 =	ssub.s32 $0x2, s6;
	s5 =	sadd.s32 $0x3400, s4;
	s4 =	simm.s32 $0x2  }
0x7: {  	[tilespmem:s3], [sflag:$0x2] =	stream.linear.gather [hbm4b:s5+s3], $0x200, $0x38;
	[tilespmem:$0x10200] =	vst v63  }
0x8: {  	s6 =	simm.s32 $0x200;
	s11 =	sshrl.u32 s10, $0x1;
	_ =	swait.ge [sflag:s4], $0x200  }
0x9: {  	s9 =	sshll.u32 s9, $0xD;
	s31 =	ssub.s32 s10, s11;
	[sflag:s4] =	ssyncset.done $0x0  }
0xa: {  	s8 =	sadd.s32 s9, s8;
	s9 =	smax.u32 s31, $0x1;
	[sflag:s4] =	ssyncadd.s32 $0xFFFFFE00  }
0xb: {  	[tilespmem:s6], [sflag:$0x1] =	stream.indirect.gather [hbm4b:s2+s6], $0x80, s3, s6, $0xb8;
	[tilespmem:$0x10200] =	vst v63  }
0xc: {  	p0 =	sne.s32 s9, $0x1;
	_ =	swait.ge [sflag:s7], $0x10000  }
.Ltmp0:
0xd: {  	[sflag:s7] =	ssyncset.done $0x0;
	(pc) =	sbr.rel @!p0 .LBB2_2-.Ltmp0, $4  }
0xe: {  	s8 =	sadd.s32 $0x3C00, s8;
	[sflag:s7] =	ssyncadd.s32 $0xFFFF0000  }
0xf: {  	[hbm4b:s8+s3] =	stream.linear.scatter [tilespmem:s6], [sflag:$0x2], $0x10000, $0x38;
	[tilespmem:$0x10200] =	vst v63  }
0x10: {  	_ =	swait.ge [sflag:s4], $0x10000  }
0x11: {  	s9 =	sadd.s32 $0xFFFFFFFF, s9;
	[sflag:s4] =	ssyncset.done $0x0  }
.LBB2_1:
0x12: {  	p0 =	sne.s32 s9, $0x1;
	s9 =	sadd.s32 $0xFFFFFFFF, s9;
	[sflag:s4] =	ssyncadd.s32 $0xFFFF0000  }
0x13: {  	[tilespmem:s3], [sflag:$0x2] =	stream.linear.gather [hbm4b:s5+s3], $0x200, $0x38;
	[tilespmem:$0x10200] =	vst v63  }
0x14: {  	_ =	swait.ge [sflag:s4], $0x200  }
0x15: {  	[sflag:s4] =	ssyncset.done $0x0  }
0x16: {  	[sflag:s4] =	ssyncadd.s32 $0xFFFFFE00  }
0x17: {  	[tilespmem:s6], [sflag:$0x1] =	stream.indirect.gather [hbm4b:s2+s6], $0x80, s3, s6, $0xb8;
	[tilespmem:$0x10200] =	vst v63  }
0x18: {  	_ =	swait.ge [sflag:s7], $0x10000  }
.Ltmp1:
0x19: {  	[sflag:s7] =	ssyncset.done $0x0;
	(pc) =	sbr.rel @p0 .LBB2_1-.Ltmp1, $4  }
0x1a: {  	[sflag:s7] =	ssyncadd.s32 $0xFFFF0000  }
0x1b: {  	[hbm4b:s8+s3] =	stream.linear.scatter [tilespmem:s6], [sflag:$0x2], $0x10000, $0x38;
	[tilespmem:$0x10200] =	vst v63  }
0x1c: {  	_ =	swait.ge [sflag:s4], $0x10000  }
0x1d: {  	[sflag:s4] =	ssyncset.done $0x0  }
.LBB2_2:
0x1e: {  	[sflag:s4] =	ssyncadd.s32 $0xFFFF0000  }
0x1f: {  	_ =	sfence.sel $0x180000  }
0x20: {  	[bflag:$0x0] =	sbarrier.arrive $0xFFFF  }
0x21: {  	p0 =	sne.s32 s0, $0x0;
	_ =	strace $0x9000004A  }
0x22: {  	s0 =	sadd.s32 @!p0 $0x100000, s1;
	[bflag:$0x2] =	sbarrier.arrive $0xFFFF  }
0x23: {  	[sflag:s0] =	ssyncadd.tile.s32 @!p0 $0x1;
	_ =	shalt  }
.Lfunc_end2:
_tile_overlayer_lowered:
.L_overlay_start_2:
0x24: {  	(tag) =	ssettag $0x2  }
0x25: {  	s0 =	rddreg [dreg:$0x0];
	s2 =	stileid.u32  }
0x26: {  	s1 =	rddreg [dreg:$0x1];
	p0 =	sne.s32 s2, $0x0  }
0x27: {  	s3 =	rddreg [dreg:$0x2];
	[bflag:$0x3] =	sbarrier.arrive $0xFFFF;
	s2 =	simm.s32 @!p0 $0x1C02  }
0x28: {  	[timem:s3], [sflag:s2] =	dma.local @!p0 [hbm:s0], s1  }
0x29: {  	s0 =	simm.s32 @!p0 $0x2  }
0x2a: {  	_ =	swait.ge @!p0 [sflag:s0], s1  }
0x2b: {  	s1 =	ssub.s32 @!p0 $0x0, s1;
	[sflag:s0] =	ssyncset.done @!p0 $0x0  }
0x2c: {  	[sflag:s0] =	ssyncadd.s32 @!p0 s1  }
0x2d: {  	[bflag:$0x3] =	sbarrier.arrive $0xFFFF  }
0x2e: {  	_ =	shalt  }

// kernel: kernel.16.cloned.1.call-start
scs
__scs_entry_jumppad:
0x0: {  	(pc) =	sbr.rel $0x88, $3  }
0x1: {  	(tag) =	ssettag $0x0;
	lr =	simm.s32 $0x1  }
0x2: {  	[smem:$0x3F97] =	sst lr;
	_ =	strace $0xD0000000  }
0x3: {  	_ = 	snop  }
0x4: {  	_ = 	snop  }
0x5: {  	_ = 	snop  }
0x6: {  	_ = 	snop  }
0x7: {  	_ = 	snop  }
__scs_overlays_trampoline_lowered:
0x8: {  	[smem:$0x3FA6] =	sst s0  }
0x9: {  	[smem:$0x3FA7] =	sst s1  }
0xa: {  	[smem:$0x3FA8] =	sst s2  }
0xb: {  	[smem:$0x3FA9] =	sst s3  }
0xc: {  	[smem:$0x3FAA] =	sst s4  }
0xd: {  	[smem:$0x3FAB] =	sst s5  }
0xe: {  	[smem:$0x3FAC] =	sst s6  }
0xf: {  	[smem:$0x3FAD] =	sst s7  }
0x10: {  	[smem:$0x3FAE] =	sst s8  }
0x11: {  	[smem:$0x3FAF] =	sst s9;
	s0 =	simm.s32 @!p0 $0x0  }
0x12: {  	s1 =	sld [smem:$0x3F95];
	s0 =	simm.s32 @p0 $0x1  }
0x13: {  	[smem:$0x3FB0] =	sst s0;
	s0 =	simm.s32 @!p1 $0x0  }
0x14: {  	s2 =	sld [smem:$0x3F94];
	s0 =	simm.s32 @p1 $0x1  }
0x15: {  	[smem:$0x3FB1] =	sst s0;
	s0 =	simm.s32 @!p2 $0x0  }
0x16: {  	s3 =	sld [smem:$0x3FDB];
	s0 =	simm.s32 @p2 $0x1  }
0x17: {  	s4 =	simm.s32 $0x1BF5;
	[smem:$0x3FB3] =	sst s0  }
0x18: {  	s0 =	sld [smem:$0x3F96];
	_ =	swait.ge [sflag:s4], $0x0  }
0x19: {  	s7 =	sld [smem:$0x3F97]  }
0x1a: {  	s8 =	sadd.s32 $0xFFFFE003, lr  }
0x1b: {  	s9 =	sadd.s32 $0xFFFFFEF7, lr;
	s5 =	simm.s32 $0xFFFFFFFF;
	p2 =	slt.u32 s8, $0xFFFFF086  }
0x1c: {  	p1 =	slt.u32 s9, $0xF7A;
	s5 =	simm.s32 @!p2 $0x0  }
0x1d: {  	s5 =	simm.s32 @p1 $0x1;
	p0 =	seq.s32 s7, s2  }
0x1e: {  	s7 =	smul.u32 @!p0 $0xF7A, s2;
	p2 =	seq.s32 @!p0 s5, $0x0  }
0x1f: {  	s9 =	smul.u32 $0xF7A, s1;
	s8 =	simm.s32 @!p0 $0x1BF5;
	p2 =	por !p2, p0  }
0x20: {  	[sflag:s8] =	ssyncset.s32 @!p0 $0xFFFFF086;
	s6 =	sadd.s32 @!p0 s3, s7;
	s7 =	simm.s32 @!p0 $0x108  }
0x21: {  	s3 =	sadd.s32 s3, s9;
	s6 =	sadd.s32 @!p0 $0x88, s6;
	s7 =	simm.s32 @p2 $0x1082  }
0x22: {  	[simem:s7], [sflag:s8] =	dma.local @!p0 [hbm:s6], $0xF7A  }
0x23: {  	s9 =	sor.u32 $0xD0000000, s2;
	s6 =	simm.s32 $0x108;
	_ =	swait.ge @!p0 [sflag:s8], $0x0  }
0x24: {  	s3 =	sadd.s32 $0x88, s3;
	s6 =	simm.s32 @!p1 $0x1082;
	[sflag:s4] =	ssyncset.s32 $0xFFFFF086  }
0x25: {  	[simem:s6], [sflag:s4] =	dma.local [hbm:s3], $0xF7A  }
0x26: {  	[smem:$0x3F97] =	sst s1;
	(tag) =	ssettag s2;
	_ =	strace s9  }
0x27: {  	s1 =	sld [smem:$0x3FA7]  }
0x28: {  	s2 =	sld [smem:$0x3FA8]  }
0x29: {  	s4 =	sld [smem:$0x3FAA]  }
0x2a: {  	p0 =	seq.s32 s5, $0x0;
	s5 =	sld [smem:$0x3FAB]  }
0x2b: {  	s6 =	sld [smem:$0x3FAC]  }
0x2c: {  	s7 =	sld [smem:$0x3FAD]  }
0x2d: {  	s3 =	simm.s32 $0x108;
	s8 =	sld [smem:$0x3FAE]  }
0x2e: {  	s3 =	simm.s32 @!p0 $0x1082;
	s9 =	sld [smem:$0x3FAF]  }
0x2f: {  	lr =	sadd.s32 s0, s3;
	s0 =	sld [smem:$0x3FA6]  }
0x30: {  	s3 =	sld [smem:$0x3FA9]  }
0x31: {  	[smem:$0x3FB2] =	sst s10  }
0x32: {  	s10 =	sld [smem:$0x3FB0];
	_ =	sdelay $0x3  }
0x33: {  	p0 =	seq.s32 s10, $0x1;
	s10 =	sld [smem:$0x3FB2];
	_ =	sdelay $0x3  }
0x34: {  	[smem:$0x3FB2] =	sst s10  }
0x35: {  	s10 =	sld [smem:$0x3FB1];
	_ =	sdelay $0x3  }
0x36: {  	p1 =	seq.s32 s10, $0x1;
	s10 =	sld [smem:$0x3FB2];
	_ =	sdelay $0x3  }
0x37: {  	[smem:$0x3FB2] =	sst s10  }
0x38: {  	s10 =	sld [smem:$0x3FB3]  }
0x39: {  	_ = 	snop;
	(pc) =	sbr.ind lr, $3  }
0x3a: {  	_ = 	snop  }
0x3b: {  	_ = 	snop  }
0x3c: {  	p2 =	seq.s32 s10, $0x1;
	s10 =	sld [smem:$0x3FB2]  }
0x3d: {  	_ =	shalt  }
0x3e: {  	_ =	shalt  }
0x3f: {  	_ =	shalt  }
0x40: {  	_ =	shalt  }
0x41: {  	_ =	shalt  }
0x42: {  	_ =	shalt  }
0x43: {  	_ =	shalt  }
0x44: {  	_ =	shalt  }
0x45: {  	_ =	shalt  }
0x46: {  	_ =	shalt  }
0x47: {  	_ =	shalt  }
0x48: {  	_ =	shalt  }
0x49: {  	_ =	shalt  }
0x4a: {  	_ =	shalt  }
0x4b: {  	_ =	shalt  }
0x4c: {  	_ =	shalt  }
0x4d: {  	_ =	shalt  }
0x4e: {  	_ =	shalt  }
0x4f: {  	_ =	shalt  }
0x50: {  	_ =	shalt  }
0x51: {  	_ =	shalt  }
0x52: {  	_ =	shalt  }
0x53: {  	_ =	shalt  }
0x54: {  	_ =	shalt  }
0x55: {  	_ =	shalt  }
0x56: {  	_ =	shalt  }
0x57: {  	_ =	shalt  }
0x58: {  	_ =	shalt  }
0x59: {  	_ =	shalt  }
0x5a: {  	_ =	shalt  }
0x5b: {  	_ =	shalt  }
0x5c: {  	_ =	shalt  }
0x5d: {  	_ =	shalt  }
0x5e: {  	_ =	shalt  }
0x5f: {  	_ =	shalt  }
0x60: {  	_ =	shalt  }
0x61: {  	_ =	shalt  }
0x62: {  	_ =	shalt  }
0x63: {  	_ =	shalt  }
0x64: {  	_ =	shalt  }
0x65: {  	_ =	shalt  }
0x66: {  	_ =	shalt  }
0x67: {  	_ =	shalt  }
0x68: {  	_ =	shalt  }
0x69: {  	_ =	shalt  }
0x6a: {  	_ =	shalt  }
0x6b: {  	_ =	shalt  }
0x6c: {  	_ =	shalt  }
0x6d: {  	_ =	shalt  }
0x6e: {  	_ =	shalt  }
0x6f: {  	_ =	shalt  }
0x70: {  	_ =	shalt  }
0x71: {  	_ =	shalt  }
0x72: {  	_ =	shalt  }
0x73: {  	_ =	shalt  }
0x74: {  	_ =	shalt  }
0x75: {  	_ =	shalt  }
0x76: {  	_ =	shalt  }
0x77: {  	_ =	shalt  }
0x78: {  	_ =	shalt  }
0x79: {  	_ =	shalt  }
0x7a: {  	_ =	shalt  }
0x7b: {  	_ =	shalt  }
0x7c: {  	_ =	shalt  }
0x7d: {  	_ =	shalt  }
0x7e: {  	_ =	shalt  }
0x7f: {  	_ =	shalt  }
0x80: {  	_ =	shalt  }
0x81: {  	_ =	shalt  }
0x82: {  	_ =	shalt  }
0x83: {  	_ =	shalt  }
0x84: {  	_ =	shalt  }
0x85: {  	_ =	shalt  }
0x86: {  	_ =	shalt  }
0x87: {  	_ =	shalt  }
.Lfunc_end0:
.L_simem_size_0:
called_computation.2_lowered:
.L_overlay_start_0:
0x88: {  	s2 =	sld [smem:$0x3FD9]  }
0x89: {  	s3 =	sld [smem:$0x3FFE];
	_ =	sdelay $0x1  }
0x8a: {  	s1 =	srdreg.scid  }
0x8b: {  	s0 =	sand.u32 $0x1, s1  }
0x8c: {  	s17 =	sshll.u32 s0, $0xA;
	s2 =	sadd.s32 s3, s2  }
0x8d: {  	s2 =	sadd.s32 s2, s17  }
0x8e: {  	[smem:$0x3FBE] =	sst s2  }
0x8f: {  	_ = 	snop  }
0x90: {  	s18 =	sld [smem:$0x3FC6];
	(tm) =	ssettm $0x1  }
0x91: {  	s19 =	sld [smem:$0x3FFB];
	_ =	sdelay $0x3  }
0x92: {  	_ =	strace s19  }
0x93: {  	s2 =	sld [smem:$0x3FFC];
	_ =	sdelay $0x3  }
0x94: {  	_ =	strace s2  }
0x95: {  	s2 =	sld [smem:$0x3FFD];
	_ =	sdelay $0x3  }
0x96: {  	_ =	strace s2  }
0x97: {  	_ =	strace $0x8FFFFFFF  }
0x98: {  	s20 =	sld [smem:$0x3FDB];
	_ =	sdelay $0x1  }
0x99: {  	s4 =	simm.s32 $_scs_section_size  }
0x9a: {  	s5 =	simm.s32 $_size__tile_overlayer_lowered;
	s6 =	simm.s32 $_tile_overlayer_lowered  }
0x9b: {  	s7 =	simm.s32 $0x1BFF;
	s21 =	sshll.u32 s6, $0x1;
	s4 =	sadd.s32 s4, s20  }
0x9c: {  	s22 =	simm.s32 $0x0;
	s5 =	sshll.u32 s5, $0x1;
	s6 =	sadd.s32 s21, s4  }
0x9d: {  	[timem:s22], [sflag:s7] =	dma.local [hbm:s6], s5  }
0x9e: {  	_ =	swait.ge [sflag:s7], s5  }
0x9f: {  	s5 =	ssub.s32 $0x0, s5;
	[sflag:s7] =	ssyncset.done $0x0  }
0xa0: {  	[sflag:s7] =	ssyncadd.s32 s5;
	_ =	sdelay $0x1  }
0xa1: {  	s23 =	simm.s32 $0x1B8B  }
0xa2: {  	_ =	swait.ge [sflag:s23], $0x1  }
0xa3: {  	[sflag:s23] =	ssyncset.done $0x0  }
0xa4: {  	[sflag:s23] =	ssyncadd.s32 $0xFFFFFFFF  }
0xa5: {  	s5 =	sld [smem:$0x0]  }
0xa6: {  	s6 =	sand.u32 $0xFFFFFFFE, s1  }
0xa7: {  	p0 =	sne.s32 s1, s6  }
0xa8: {  	s6 =	sshll.u32 @p0 s6, $0xE  }
0xa9: {  	s6 =	sadd.s32 @p0 $0x11B8D, s6;
	s7 =	sshll.u32 @p0 s5, $0x11  }
0xaa: {  	s6 =	sor.u32 @p0 s7, s6  }
0xab: {  	[sflag:s6] =	ssyncadd.remote.s32 @p0 $0x1;
	_ =	sdelay $0x1  }
0xac: {  	s6 =	simm.s32 @p0 $0x1B8D  }
0xad: {  	_ =	swait.eq @p0 [sflag:s6], $0x1  }
0xae: {  	[sflag:s6] =	ssyncadd.s32 @p0 $0xFFFFFFFF  }
0xaf: {  	s7 =	sshll.u32 @!p0 s1, $0xE  }
0xb0: {  	s7 =	sor.u32 @!p0 $0x4000, s7;
	s6 =	simm.s32 @!p0 $0x1B8D  }
0xb1: {  	s5 =	sshll.u32 @!p0 s5, $0x11;
	s7 =	sadd.s32 @!p0 $0x11B8D, s7;
	_ =	swait.eq @!p0 [sflag:s6], $0x1  }
0xb2: {  	s5 =	sor.u32 @!p0 s5, s7;
	[sflag:s6] =	ssyncadd.s32 @!p0 $0xFFFFFFFF  }
0xb3: {  	s25 =	simm.s32 $0x1B8E;
	s24 =	sld [smem:$0x3FFE];
	[sflag:s5] =	ssyncadd.remote.s32 @!p0 $0x1  }
0xb4: {  	s26 =	simm.s32 $execute0_lowered;
	[smem:$0x3FD2] =	sst s25  }
0xb5: {  	s6 =	sshll.u32 s26, $0x1;
	_ =	strace $0x8000004C;
	[dreg:$0x1] =	wrdreg $0xFFFFFFFF  }
0xb6: {  	s28 =	simm.s32 $_size_execute0_lowered;
	s4 =	sadd.s32 s4, s6;
	[dreg:$0x0] =	wrdreg $0x0  }
0xb7: {  	s6 =	sshll.u32 s28, $0x1;
	[dreg:$0x2] =	wrdreg s4  }
0xb8: {  	[dreg:$0x3] =	wrdreg s6  }
0xb9: {  	[dreg:$0x4] =	wrdreg $0xC0  }
0xba: {  	_ =	task [dreg:s22], $0x5FFFF  }
0xbb: {  	[dreg:$0x1] =	wrdreg $0xFFFFFFFF  }
0xbc: {  	[dreg:$0x0] =	wrdreg $0x60  }
0xbd: {  	[dreg:$0x2] =	wrdreg s18  }
0xbe: {  	[dreg:$0x3] =	wrdreg s24  }
0xbf: {  	[dreg:$0x4] =	wrdreg $0xB  }
0xc0: {  	_ =	task.clear_ibuf [dreg:s22], $0x5FFFF;
	_ =	strace $0x9000004C  }
0xc1: {  	s29 =	simm.s32 $0xB;
	_ =	strace $0x8000004E  }
0xc2: {  	_ =	swait.ge [sflag:s29], $0x1  }
0xc3: {  	[sflag:s29] =	ssyncadd.s32 $0xFFFFFFFF  }
0xc4: {  	_ =	strace $0x9000004E  }
0xc5: {  	_ =	sfence  }
0xc6: {  	s30 =	sld [smem:$0x0];
	_ =	sdelay $0x2  }
0xc7: {  	s31 =	sshll.u32 s1, $0xD;
	s1 =	sshrl.u32 s1, $0x2  }
0xc8: {  	s4 =	sand.u32 $0x4000, s31;
	s1 =	sadd.s32 s1, s30  }
0xc9: {  	s0 =	sor.u32 s4, s0;
	s1 =	sshll.u32 s1, $0x11  }
0xca: {  	s0 =	sor.u32 s1, s0  }
0xcb: {  	s0 =	sadd.s32 $0x8F2B, s0  }
0xcc: {  	[sflag:s0] =	ssyncadd.remote.s32 $0x1  }
0xcd: {  	_ =	sfence.sel $0xFFFF  }
0xce: {  	[dreg:$0x0] =	wrdreg $0xFFFFFFFF;
	(pc) =	sbr.abs _section_cstart, $3  }
0xcf: {  	[dreg:$0x1] =	wrdreg $0xFFFFFFFF  }
0xd0: {  	_ =	task.clear_ibuf [dreg:s22], $0x2FFFF;
	_ =	strace $0x9FFFFFFF  }
0xd1: {  	(tm) =	ssettm $0x7FFFFFFF  }
tec
execute0_lowered:
.L_overlay_start_1:
0x0: {  	(tag) =	ssettag $0x1  }
0x1: {  	s1 =	srdreg.scid;
	s0 =	stileid.u32  }
0x2: {  	s2 =	rddreg [dreg:$0x0];
	s10 =	sand.u32 $0x1, s1;
	s31 =	sshll.u32 s0, $0x1  }
0x3: {  	s9 =	rddreg [dreg:$0x1];
	s11 =	sor.u32 s10, s31  }
0x4: {  	s3 =	simm.s32 $0x0;
	s1 =	rddreg [dreg:$0x2];
	s4 =	sshll.u32 s11, $0x7  }
0x5: {  	[smem:$0x7FF] =	sst s3;
	s4 =	sadd.s32 s4, s9  }
0x6: {  	_ =	strace $0x8000004D;
	s5 =	sadd.s32 $0x43C00, s4;
	s4 =	simm.s32 $0x2  }
0x7: {  	[tilespmem:s3], [sflag:$0x2] =	stream.linear.gather [hbm4b:s5+s3], $0x400, $0x38;
	[tilespmem:$0x10400] =	vst v63  }
0x8: {  	_ =	swait.ge [sflag:s4], $0x400  }
0x9: {  	s6 =	simm.s32 $0x200;
	[sflag:s4] =	ssyncset.done $0x0  }
0xa: {  	s7 =	simm.s32 $0x400;
	s8 =	simm.s32 $0x1;
	[sflag:s4] =	ssyncadd.s32 $0xFFFFFC00  }
0xb: {  	[tilespmem:s7], [sflag:$0x1] =	stream.indirect.gather [hbm4b:s2+s6], $0x80, s3, s6, $0xb8;
	[tilespmem:$0x10400] =	vst v63  }
0xc: {  	s11 =	sshll.u32 s11, $0xE;
	_ =	swait.ge [sflag:s8], $0x10000  }
0xd: {  	s11 =	sadd.s32 s11, s9;
	[sflag:s8] =	ssyncset.done $0x0  }
0xe: {  	s10 =	ssub.s32 $0x2, s10;
	s9 =	sadd.s32 $0x44C00, s11;
	[sflag:s8] =	ssyncadd.s32 $0xFFFF0000  }
0xf: {  	[hbm4b:s9+s3] =	stream.linear.scatter [tilespmem:s7], [sflag:$0x2], $0x10000, $0x38;
	[tilespmem:$0x10400] =	vst v63  }
0x10: {  	s12 =	sshrl.u32 s10, $0x1;
	_ =	swait.ge [sflag:s4], $0x10000  }
0x11: {  	s10 =	ssub.s32 s10, s12;
	[sflag:s4] =	ssyncset.done $0x0  }
0x12: {  	s12 =	smax.u32 s10, $0x1;
	[sflag:s4] =	ssyncadd.s32 $0xFFFF0000  }
0x13: {  	[tilespmem:s7], [sflag:$0x1] =	stream.indirect.gather [hbm4b:s2+s6], $0x80, s6, s6, $0xb8;
	[tilespmem:$0x10400] =	vst v63  }
0x14: {  	p0 =	sne.s32 s12, $0x1;
	_ =	swait.ge [sflag:s8], $0x10000  }
.Ltmp0:
0x15: {  	[sflag:s8] =	ssyncset.done $0x0;
	(pc) =	sbr.rel @!p0 .LBB2_2-.Ltmp0, $4  }
0x16: {  	s10 =	sadd.s32 $0x46C00, s11;
	[sflag:s8] =	ssyncadd.s32 $0xFFFF0000  }
0x17: {  	[hbm4b:s10+s3] =	stream.linear.scatter [tilespmem:s7], [sflag:$0x2], $0x10000, $0x38;
	[tilespmem:$0x10400] =	vst v63  }
0x18: {  	_ =	swait.ge [sflag:s4], $0x10000  }
0x19: {  	s11 =	sadd.s32 $0xFFFFFFFF, s12;
	[sflag:s4] =	ssyncset.done $0x0  }
.LBB2_1:
0x1a: {  	p0 =	sne.s32 s11, $0x1;
	s11 =	sadd.s32 $0xFFFFFFFF, s11;
	[sflag:s4] =	ssyncadd.s32 $0xFFFF0000  }
0x1b: {  	[tilespmem:s3], [sflag:$0x2] =	stream.linear.gather [hbm4b:s5+s3], $0x400, $0x38;
	[tilespmem:$0x10400] =	vst v63  }
0x1c: {  	_ =	swait.ge [sflag:s4], $0x400  }
0x1d: {  	[sflag:s4] =	ssyncset.done $0x0  }
0x1e: {  	[sflag:s4] =	ssyncadd.s32 $0xFFFFFC00  }
0x1f: {  	[tilespmem:s7], [sflag:$0x1] =	stream.indirect.gather [hbm4b:s2+s6], $0x80, s3, s6, $0xb8;
	[tilespmem:$0x10400] =	vst v63  }
0x20: {  	_ =	swait.ge [sflag:s8], $0x10000  }
0x21: {  	[sflag:s8] =	ssyncset.done $0x0  }
0x22: {  	[sflag:s8] =	ssyncadd.s32 $0xFFFF0000  }
0x23: {  	[hbm4b:s9+s3] =	stream.linear.scatter [tilespmem:s7], [sflag:$0x2], $0x10000, $0x38;
	[tilespmem:$0x10400] =	vst v63  }
0x24: {  	_ =	swait.ge [sflag:s4], $0x10000  }
0x25: {  	[sflag:s4] =	ssyncset.done $0x0  }
0x26: {  	[sflag:s4] =	ssyncadd.s32 $0xFFFF0000  }
0x27: {  	[tilespmem:s7], [sflag:$0x1] =	stream.indirect.gather [hbm4b:s2+s6], $0x80, s6, s6, $0xb8;
	[tilespmem:$0x10400] =	vst v63  }
0x28: {  	_ =	swait.ge [sflag:s8], $0x10000  }
.Ltmp1:
0x29: {  	[sflag:s8] =	ssyncset.done $0x0;
	(pc) =	sbr.rel @p0 .LBB2_1-.Ltmp1, $4  }
0x2a: {  	[sflag:s8] =	ssyncadd.s32 $0xFFFF0000  }
0x2b: {  	[hbm4b:s10+s3] =	stream.linear.scatter [tilespmem:s7], [sflag:$0x2], $0x10000, $0x38;
	[tilespmem:$0x10400] =	vst v63  }
0x2c: {  	_ =	swait.ge [sflag:s4], $0x10000  }
0x2d: {  	[sflag:s4] =	ssyncset.done $0x0  }
.LBB2_2:
0x2e: {  	[sflag:s4] =	ssyncadd.s32 $0xFFFF0000  }
0x2f: {  	_ =	sfence.sel $0x180000  }
0x30: {  	[bflag:$0x0] =	sbarrier.arrive $0xFFFF  }
0x31: {  	p0 =	sne.s32 s0, $0x0;
	_ =	strace $0x9000004D  }
0x32: {  	s0 =	sadd.s32 @!p0 $0x100000, s1;
	[bflag:$0x2] =	sbarrier.arrive $0xFFFF  }
0x33: {  	[sflag:s0] =	ssyncadd.tile.s32 @!p0 $0x1;
	_ =	shalt  }
.Lfunc_end2:
_tile_overlayer_lowered:
.L_overlay_start_2:
0x34: {  	(tag) =	ssettag $0x2  }
0x35: {  	s0 =	rddreg [dreg:$0x0];
	s2 =	stileid.u32  }
0x36: {  	s1 =	rddreg [dreg:$0x1];
	p0 =	sne.s32 s2, $0x0  }
0x37: {  	s3 =	rddreg [dreg:$0x2];
	[bflag:$0x3] =	sbarrier.arrive $0xFFFF;
	s2 =	simm.s32 @!p0 $0x1C02  }
0x38: {  	[timem:s3], [sflag:s2] =	dma.local @!p0 [hbm:s0], s1  }
0x39: {  	s0 =	simm.s32 @!p0 $0x2  }
0x3a: {  	_ =	swait.ge @!p0 [sflag:s0], s1  }
0x3b: {  	s1 =	ssub.s32 @!p0 $0x0, s1;
	[sflag:s0] =	ssyncset.done @!p0 $0x0  }
0x3c: {  	[sflag:s0] =	ssyncadd.s32 @!p0 s1  }
0x3d: {  	[bflag:$0x3] =	sbarrier.arrive $0xFFFF  }
0x3e: {  	_ =	shalt  }

// kernel: kernel.19.cloned.1.call-start
scs
__scs_entry_jumppad:
0x0: {  	(pc) =	sbr.rel $0x88, $3  }
0x1: {  	(tag) =	ssettag $0x0;
	lr =	simm.s32 $0x1  }
0x2: {  	[smem:$0x3F97] =	sst lr;
	_ =	strace $0xD0000000  }
0x3: {  	_ = 	snop  }
0x4: {  	_ = 	snop  }
0x5: {  	_ = 	snop  }
0x6: {  	_ = 	snop  }
0x7: {  	_ = 	snop  }
__scs_overlays_trampoline_lowered:
0x8: {  	[smem:$0x3FA6] =	sst s0  }
0x9: {  	[smem:$0x3FA7] =	sst s1  }
0xa: {  	[smem:$0x3FA8] =	sst s2  }
0xb: {  	[smem:$0x3FA9] =	sst s3  }
0xc: {  	[smem:$0x3FAA] =	sst s4  }
0xd: {  	[smem:$0x3FAB] =	sst s5  }
0xe: {  	[smem:$0x3FAC] =	sst s6  }
0xf: {  	[smem:$0x3FAD] =	sst s7  }
0x10: {  	[smem:$0x3FAE] =	sst s8  }
0x11: {  	[smem:$0x3FAF] =	sst s9;
	s0 =	simm.s32 @!p0 $0x0  }
0x12: {  	s1 =	sld [smem:$0x3F95];
	s0 =	simm.s32 @p0 $0x1  }
0x13: {  	[smem:$0x3FB0] =	sst s0;
	s0 =	simm.s32 @!p1 $0x0  }
0x14: {  	s2 =	sld [smem:$0x3F94];
	s0 =	simm.s32 @p1 $0x1  }
0x15: {  	[smem:$0x3FB1] =	sst s0;
	s0 =	simm.s32 @!p2 $0x0  }
0x16: {  	s3 =	sld [smem:$0x3FDB];
	s0 =	simm.s32 @p2 $0x1  }
0x17: {  	s4 =	simm.s32 $0x1BF5;
	[smem:$0x3FB3] =	sst s0  }
0x18: {  	s0 =	sld [smem:$0x3F96];
	_ =	swait.ge [sflag:s4], $0x0  }
0x19: {  	s7 =	sld [smem:$0x3F97]  }
0x1a: {  	s8 =	sadd.s32 $0xFFFFE003, lr  }
0x1b: {  	s9 =	sadd.s32 $0xFFFFFEF7, lr;
	s5 =	simm.s32 $0xFFFFFFFF;
	p2 =	slt.u32 s8, $0xFFFFF086  }
0x1c: {  	p1 =	slt.u32 s9, $0xF7A;
	s5 =	simm.s32 @!p2 $0x0  }
0x1d: {  	s5 =	simm.s32 @p1 $0x1;
	p0 =	seq.s32 s7, s2  }
0x1e: {  	s7 =	smul.u32 @!p0 $0xF7A, s2;
	p2 =	seq.s32 @!p0 s5, $0x0  }
0x1f: {  	s9 =	smul.u32 $0xF7A, s1;
	s8 =	simm.s32 @!p0 $0x1BF5;
	p2 =	por !p2, p0  }
0x20: {  	[sflag:s8] =	ssyncset.s32 @!p0 $0xFFFFF086;
	s6 =	sadd.s32 @!p0 s3, s7;
	s7 =	simm.s32 @!p0 $0x108  }
0x21: {  	s3 =	sadd.s32 s3, s9;
	s6 =	sadd.s32 @!p0 $0x88, s6;
	s7 =	simm.s32 @p2 $0x1082  }
0x22: {  	[simem:s7], [sflag:s8] =	dma.local @!p0 [hbm:s6], $0xF7A  }
0x23: {  	s9 =	sor.u32 $0xD0000000, s2;
	s6 =	simm.s32 $0x108;
	_ =	swait.ge @!p0 [sflag:s8], $0x0  }
0x24: {  	s3 =	sadd.s32 $0x88, s3;
	s6 =	simm.s32 @!p1 $0x1082;
	[sflag:s4] =	ssyncset.s32 $0xFFFFF086  }
0x25: {  	[simem:s6], [sflag:s4] =	dma.local [hbm:s3], $0xF7A  }
0x26: {  	[smem:$0x3F97] =	sst s1;
	(tag) =	ssettag s2;
	_ =	strace s9  }
0x27: {  	s1 =	sld [smem:$0x3FA7]  }
0x28: {  	s2 =	sld [smem:$0x3FA8]  }
0x29: {  	s4 =	sld [smem:$0x3FAA]  }
0x2a: {  	p0 =	seq.s32 s5, $0x0;
	s5 =	sld [smem:$0x3FAB]  }
0x2b: {  	s6 =	sld [smem:$0x3FAC]  }
0x2c: {  	s7 =	sld [smem:$0x3FAD]  }
0x2d: {  	s3 =	simm.s32 $0x108;
	s8 =	sld [smem:$0x3FAE]  }
0x2e: {  	s3 =	simm.s32 @!p0 $0x1082;
	s9 =	sld [smem:$0x3FAF]  }
0x2f: {  	lr =	sadd.s32 s0, s3;
	s0 =	sld [smem:$0x3FA6]  }
0x30: {  	s3 =	sld [smem:$0x3FA9]  }
0x31: {  	[smem:$0x3FB2] =	sst s10  }
0x32: {  	s10 =	sld [smem:$0x3FB0];
	_ =	sdelay $0x3  }
0x33: {  	p0 =	seq.s32 s10, $0x1;
	s10 =	sld [smem:$0x3FB2];
	_ =	sdelay $0x3  }
0x34: {  	[smem:$0x3FB2] =	sst s10  }
0x35: {  	s10 =	sld [smem:$0x3FB1];
	_ =	sdelay $0x3  }
0x36: {  	p1 =	seq.s32 s10, $0x1;
	s10 =	sld [smem:$0x3FB2];
	_ =	sdelay $0x3  }
0x37: {  	[smem:$0x3FB2] =	sst s10  }
0x38: {  	s10 =	sld [smem:$0x3FB3]  }
0x39: {  	_ = 	snop;
	(pc) =	sbr.ind lr, $3  }
0x3a: {  	_ = 	snop  }
0x3b: {  	_ = 	snop  }
0x3c: {  	p2 =	seq.s32 s10, $0x1;
	s10 =	sld [smem:$0x3FB2]  }
0x3d: {  	_ =	shalt  }
0x3e: {  	_ =	shalt  }
0x3f: {  	_ =	shalt  }
0x40: {  	_ =	shalt  }
0x41: {  	_ =	shalt  }
0x42: {  	_ =	shalt  }
0x43: {  	_ =	shalt  }
0x44: {  	_ =	shalt  }
0x45: {  	_ =	shalt  }
0x46: {  	_ =	shalt  }
0x47: {  	_ =	shalt  }
0x48: {  	_ =	shalt  }
0x49: {  	_ =	shalt  }
0x4a: {  	_ =	shalt  }
0x4b: {  	_ =	shalt  }
0x4c: {  	_ =	shalt  }
0x4d: {  	_ =	shalt  }
0x4e: {  	_ =	shalt  }
0x4f: {  	_ =	shalt  }
0x50: {  	_ =	shalt  }
0x51: {  	_ =	shalt  }
0x52: {  	_ =	shalt  }
0x53: {  	_ =	shalt  }
0x54: {  	_ =	shalt  }
0x55: {  	_ =	shalt  }
0x56: {  	_ =	shalt  }
0x57: {  	_ =	shalt  }
0x58: {  	_ =	shalt  }
0x59: {  	_ =	shalt  }
0x5a: {  	_ =	shalt  }
0x5b: {  	_ =	shalt  }
0x5c: {  	_ =	shalt  }
0x5d: {  	_ =	shalt  }
0x5e: {  	_ =	shalt  }
0x5f: {  	_ =	shalt  }
0x60: {  	_ =	shalt  }
0x61: {  	_ =	shalt  }
0x62: {  	_ =	shalt  }
0x63: {  	_ =	shalt  }
0x64: {  	_ =	shalt  }
0x65: {  	_ =	shalt  }
0x66: {  	_ =	shalt  }
0x67: {  	_ =	shalt  }
0x68: {  	_ =	shalt  }
0x69: {  	_ =	shalt  }
0x6a: {  	_ =	shalt  }
0x6b: {  	_ =	shalt  }
0x6c: {  	_ =	shalt  }
0x6d: {  	_ =	shalt  }
0x6e: {  	_ =	shalt  }
0x6f: {  	_ =	shalt  }
0x70: {  	_ =	shalt  }
0x71: {  	_ =	shalt  }
0x72: {  	_ =	shalt  }
0x73: {  	_ =	shalt  }
0x74: {  	_ =	shalt  }
0x75: {  	_ =	shalt  }
0x76: {  	_ =	shalt  }
0x77: {  	_ =	shalt  }
0x78: {  	_ =	shalt  }
0x79: {  	_ =	shalt  }
0x7a: {  	_ =	shalt  }
0x7b: {  	_ =	shalt  }
0x7c: {  	_ =	shalt  }
0x7d: {  	_ =	shalt  }
0x7e: {  	_ =	shalt  }
0x7f: {  	_ =	shalt  }
0x80: {  	_ =	shalt  }
0x81: {  	_ =	shalt  }
0x82: {  	_ =	shalt  }
0x83: {  	_ =	shalt  }
0x84: {  	_ =	shalt  }
0x85: {  	_ =	shalt  }
0x86: {  	_ =	shalt  }
0x87: {  	_ =	shalt  }
.Lfunc_end0:
.L_simem_size_0:
called_computation.3_lowered:
.L_overlay_start_0:
0x88: {  	s2 =	sld [smem:$0x3FD9]  }
0x89: {  	s3 =	sld [smem:$0x3FFE];
	_ =	sdelay $0x1  }
0x8a: {  	s1 =	srdreg.scid  }
0x8b: {  	s0 =	sand.u32 $0x1, s1  }
0x8c: {  	s17 =	sshll.u32 s0, $0xA;
	s2 =	sadd.s32 s3, s2  }
0x8d: {  	s2 =	sadd.s32 s2, s17  }
0x8e: {  	[smem:$0x3FBE] =	sst s2  }
0x8f: {  	_ = 	snop  }
0x90: {  	s18 =	sld [smem:$0x3FC6];
	(tm) =	ssettm $0x1  }
0x91: {  	s19 =	sld [smem:$0x3FFB];
	_ =	sdelay $0x3  }
0x92: {  	_ =	strace s19  }
0x93: {  	s2 =	sld [smem:$0x3FFC];
	_ =	sdelay $0x3  }
0x94: {  	_ =	strace s2  }
0x95: {  	s2 =	sld [smem:$0x3FFD];
	_ =	sdelay $0x3  }
0x96: {  	_ =	strace s2  }
0x97: {  	_ =	strace $0x8FFFFFFF  }
0x98: {  	s20 =	sld [smem:$0x3FDB];
	_ =	sdelay $0x1  }
0x99: {  	s4 =	simm.s32 $_scs_section_size  }
0x9a: {  	s5 =	simm.s32 $_size__tile_overlayer_lowered;
	s6 =	simm.s32 $_tile_overlayer_lowered  }
0x9b: {  	s7 =	simm.s32 $0x1BFF;
	s21 =	sshll.u32 s6, $0x1;
	s4 =	sadd.s32 s4, s20  }
0x9c: {  	s22 =	simm.s32 $0x0;
	s5 =	sshll.u32 s5, $0x1;
	s6 =	sadd.s32 s21, s4  }
0x9d: {  	[timem:s22], [sflag:s7] =	dma.local [hbm:s6], s5  }
0x9e: {  	_ =	swait.ge [sflag:s7], s5  }
0x9f: {  	s5 =	ssub.s32 $0x0, s5;
	[sflag:s7] =	ssyncset.done $0x0  }
0xa0: {  	[sflag:s7] =	ssyncadd.s32 s5;
	_ =	sdelay $0x1  }
0xa1: {  	s23 =	simm.s32 $0x1B8B  }
0xa2: {  	_ =	swait.ge [sflag:s23], $0x1  }
0xa3: {  	[sflag:s23] =	ssyncset.done $0x0  }
0xa4: {  	[sflag:s23] =	ssyncadd.s32 $0xFFFFFFFF  }
0xa5: {  	s5 =	sld [smem:$0x0]  }
0xa6: {  	s6 =	sand.u32 $0xFFFFFFFE, s1  }
0xa7: {  	p0 =	sne.s32 s1, s6  }
0xa8: {  	s6 =	sshll.u32 @p0 s6, $0xE  }
0xa9: {  	s6 =	sadd.s32 @p0 $0x11B8D, s6;
	s7 =	sshll.u32 @p0 s5, $0x11  }
0xaa: {  	s6 =	sor.u32 @p0 s7, s6  }
0xab: {  	[sflag:s6] =	ssyncadd.remote.s32 @p0 $0x1;
	_ =	sdelay $0x1  }
0xac: {  	s6 =	simm.s32 @p0 $0x1B8D  }
0xad: {  	_ =	swait.eq @p0 [sflag:s6], $0x1  }
0xae: {  	[sflag:s6] =	ssyncadd.s32 @p0 $0xFFFFFFFF  }
0xaf: {  	s7 =	sshll.u32 @!p0 s1, $0xE  }
0xb0: {  	s7 =	sor.u32 @!p0 $0x4000, s7;
	s6 =	simm.s32 @!p0 $0x1B8D  }
0xb1: {  	s5 =	sshll.u32 @!p0 s5, $0x11;
	s7 =	sadd.s32 @!p0 $0x11B8D, s7;
	_ =	swait.eq @!p0 [sflag:s6], $0x1  }
0xb2: {  	s5 =	sor.u32 @!p0 s5, s7;
	[sflag:s6] =	ssyncadd.s32 @!p0 $0xFFFFFFFF  }
0xb3: {  	s25 =	simm.s32 $0x1B8E;
	s24 =	sld [smem:$0x3FFE];
	[sflag:s5] =	ssyncadd.remote.s32 @!p0 $0x1  }
0xb4: {  	s26 =	simm.s32 $execute0_lowered;
	[smem:$0x3FD2] =	sst s25  }
0xb5: {  	s6 =	sshll.u32 s26, $0x1;
	_ =	strace $0x8000004F;
	[dreg:$0x1] =	wrdreg $0xFFFFFFFF  }
0xb6: {  	s28 =	simm.s32 $_size_execute0_lowered;
	s4 =	sadd.s32 s4, s6;
	[dreg:$0x0] =	wrdreg $0x0  }
0xb7: {  	s6 =	sshll.u32 s28, $0x1;
	[dreg:$0x2] =	wrdreg s4  }
0xb8: {  	[dreg:$0x3] =	wrdreg s6  }
0xb9: {  	[dreg:$0x4] =	wrdreg $0xC0  }
0xba: {  	_ =	task [dreg:s22], $0x5FFFF  }
0xbb: {  	[dreg:$0x1] =	wrdreg $0xFFFFFFFF  }
0xbc: {  	[dreg:$0x0] =	wrdreg $0x60  }
0xbd: {  	[dreg:$0x2] =	wrdreg s18  }
0xbe: {  	[dreg:$0x3] =	wrdreg s24  }
0xbf: {  	[dreg:$0x4] =	wrdreg $0xC  }
0xc0: {  	_ =	task.clear_ibuf [dreg:s22], $0x5FFFF;
	_ =	strace $0x9000004F  }
0xc1: {  	s29 =	simm.s32 $0xC;
	_ =	strace $0x80000051  }
0xc2: {  	_ =	swait.ge [sflag:s29], $0x1  }
0xc3: {  	[sflag:s29] =	ssyncadd.s32 $0xFFFFFFFF  }
0xc4: {  	_ =	strace $0x90000051  }
0xc5: {  	_ =	sfence  }
0xc6: {  	s30 =	sld [smem:$0x0];
	_ =	sdelay $0x2  }
0xc7: {  	s31 =	sshll.u32 s1, $0xD;
	s1 =	sshrl.u32 s1, $0x2  }
0xc8: {  	s4 =	sand.u32 $0x4000, s31;
	s1 =	sadd.s32 s1, s30  }
0xc9: {  	s0 =	sor.u32 s4, s0;
	s1 =	sshll.u32 s1, $0x11  }
0xca: {  	s0 =	sor.u32 s1, s0  }
0xcb: {  	s0 =	sadd.s32 $0x8F2B, s0  }
0xcc: {  	[sflag:s0] =	ssyncadd.remote.s32 $0x1  }
0xcd: {  	_ =	sfence.sel $0xFFFF  }
0xce: {  	[dreg:$0x0] =	wrdreg $0xFFFFFFFF;
	(pc) =	sbr.abs _section_cstart, $3  }
0xcf: {  	[dreg:$0x1] =	wrdreg $0xFFFFFFFF  }
0xd0: {  	_ =	task.clear_ibuf [dreg:s22], $0x2FFFF;
	_ =	strace $0x9FFFFFFF  }
0xd1: {  	(tm) =	ssettm $0x7FFFFFFF  }
tec
execute0_lowered:
.L_overlay_start_1:
0x0: {  	(tag) =	ssettag $0x1  }
0x1: {  	s1 =	srdreg.scid;
	s0 =	stileid.u32  }
0x2: {  	s2 =	rddreg [dreg:$0x0];
	s13 =	sand.u32 $0x1, s1;
	s31 =	sshll.u32 s0, $0x1  }
0x3: {  	s9 =	rddreg [dreg:$0x1];
	s10 =	sor.u32 s13, s31  }
0x4: {  	s3 =	simm.s32 $0x0;
	s1 =	rddreg [dreg:$0x2];
	s4 =	sshll.u32 s10, $0x8  }
0x5: {  	[smem:$0x7FF] =	sst s3;
	s4 =	sadd.s32 s4, s9  }
0x6: {  	_ =	strace $0x80000050;
	s5 =	sadd.s32 $0xC4C00, s4;
	s4 =	simm.s32 $0x2  }
0x7: {  	[tilespmem:s3], [sflag:$0x2] =	stream.linear.gather [hbm4b:s5+s3], $0x800, $0x38;
	[tilespmem:$0x10800] =	vst v63  }
0x8: {  	_ =	swait.ge [sflag:s4], $0x800  }
0x9: {  	s6 =	simm.s32 $0x200;
	[sflag:s4] =	ssyncset.done $0x0  }
0xa: {  	s7 =	simm.s32 $0x800;
	s8 =	simm.s32 $0x1;
	[sflag:s4] =	ssyncadd.s32 $0xFFFFF800  }
0xb: {  	[tilespmem:s7], [sflag:$0x1] =	stream.indirect.gather [hbm4b:s2+s6], $0x80, s3, s6, $0xb8;
	[tilespmem:$0x10800] =	vst v63  }
0xc: {  	s10 =	sshll.u32 s10, $0xF;
	_ =	swait.ge [sflag:s8], $0x10000  }
0xd: {  	s14 =	sadd.s32 s10, s9;
	[sflag:s8] =	ssyncset.done $0x0  }
0xe: {  	s9 =	sadd.s32 $0xC6C00, s14;
	[sflag:s8] =	ssyncadd.s32 $0xFFFF0000  }
0xf: {  	[hbm4b:s9+s3] =	stream.linear.scatter [tilespmem:s7], [sflag:$0x2], $0x10000, $0x38;
	[tilespmem:$0x10800] =	vst v63  }
0x10: {  	_ =	swait.ge [sflag:s4], $0x10000  }
0x11: {  	[sflag:s4] =	ssyncset.done $0x0  }
0x12: {  	[sflag:s4] =	ssyncadd.s32 $0xFFFF0000  }
0x13: {  	[tilespmem:s7], [sflag:$0x1] =	stream.indirect.gather [hbm4b:s2+s6], $0x80, s6, s6, $0xb8;
	[tilespmem:$0x10800] =	vst v63  }
0x14: {  	_ =	swait.ge [sflag:s8], $0x10000  }
0x15: {  	[sflag:s8] =	ssyncset.done $0x0  }
0x16: {  	s10 =	sadd.s32 $0xC8C00, s14;
	[sflag:s8] =	ssyncadd.s32 $0xFFFF0000  }
0x17: {  	[hbm4b:s10+s3] =	stream.linear.scatter [tilespmem:s7], [sflag:$0x2], $0x10000, $0x38;
	[tilespmem:$0x10800] =	vst v63  }
0x18: {  	_ =	swait.ge [sflag:s4], $0x10000  }
0x19: {  	[sflag:s4] =	ssyncset.done $0x0  }
0x1a: {  	s11 =	simm.s32 $0x400;
	[sflag:s4] =	ssyncadd.s32 $0xFFFF0000  }
0x1b: {  	[tilespmem:s7], [sflag:$0x1] =	stream.indirect.gather [hbm4b:s2+s6], $0x80, s11, s6, $0xb8;
	[tilespmem:$0x10800] =	vst v63  }
0x1c: {  	_ =	swait.ge [sflag:s8], $0x10000  }
0x1d: {  	[sflag:s8] =	ssyncset.done $0x0  }
0x1e: {  	s15 =	ssub.s32 $0x2, s13;
	s12 =	sadd.s32 $0xCAC00, s14;
	[sflag:s8] =	ssyncadd.s32 $0xFFFF0000  }
0x1f: {  	[hbm4b:s12+s3] =	stream.linear.scatter [tilespmem:s7], [sflag:$0x2], $0x10000, $0x38;
	[tilespmem:$0x10800] =	vst v63  }
0x20: {  	s16 =	sshrl.u32 s15, $0x1;
	_ =	swait.ge [sflag:s4], $0x10000  }
0x21: {  	s15 =	ssub.s32 s15, s16;
	[sflag:s4] =	ssyncset.done $0x0  }
0x22: {  	s13 =	simm.s32 $0x600;
	s15 =	smax.u32 s15, $0x1;
	[sflag:s4] =	ssyncadd.s32 $0xFFFF0000  }
0x23: {  	[tilespmem:s7], [sflag:$0x1] =	stream.indirect.gather [hbm4b:s2+s6], $0x80, s13, s6, $0xb8;
	[tilespmem:$0x10800] =	vst v63  }
0x24: {  	p0 =	sne.s32 s15, $0x1;
	_ =	swait.ge [sflag:s8], $0x10000  }
.Ltmp0:
0x25: {  	[sflag:s8] =	ssyncset.done $0x0;
	(pc) =	sbr.rel @!p0 .LBB2_2-.Ltmp0, $4  }
0x26: {  	s14 =	sadd.s32 $0xCCC00, s14;
	[sflag:s8] =	ssyncadd.s32 $0xFFFF0000  }
0x27: {  	[hbm4b:s14+s3] =	stream.linear.scatter [tilespmem:s7], [sflag:$0x2], $0x10000, $0x38;
	[tilespmem:$0x10800] =	vst v63  }
0x28: {  	_ =	swait.ge [sflag:s4], $0x10000  }
0x29: {  	s15 =	sadd.s32 $0xFFFFFFFF, s15;
	[sflag:s4] =	ssyncset.done $0x0  }
.LBB2_1:
0x2a: {  	p0 =	sne.s32 s15, $0x1;
	s15 =	sadd.s32 $0xFFFFFFFF, s15;
	[sflag:s4] =	ssyncadd.s32 $0xFFFF0000  }
0x2b: {  	[tilespmem:s3], [sflag:$0x2] =	stream.linear.gather [hbm4b:s5+s3], $0x800, $0x38;
	[tilespmem:$0x10800] =	vst v63  }
0x2c: {  	_ =	swait.ge [sflag:s4], $0x800  }
0x2d: {  	[sflag:s4] =	ssyncset.done $0x0  }
0x2e: {  	[sflag:s4] =	ssyncadd.s32 $0xFFFFF800  }
0x2f: {  	[tilespmem:s7], [sflag:$0x1] =	stream.indirect.gather [hbm4b:s2+s6], $0x80, s3, s6, $0xb8;
	[tilespmem:$0x10800] =	vst v63  }
0x30: {  	_ =	swait.ge [sflag:s8], $0x10000  }
0x31: {  	[sflag:s8] =	ssyncset.done $0x0  }
0x32: {  	[sflag:s8] =	ssyncadd.s32 $0xFFFF0000  }
0x33: {  	[hbm4b:s9+s3] =	stream.linear.scatter [tilespmem:s7], [sflag:$0x2], $0x10000, $0x38;
	[tilespmem:$0x10800] =	vst v63  }
0x34: {  	_ =	swait.ge [sflag:s4], $0x10000  }
0x35: {  	[sflag:s4] =	ssyncset.done $0x0  }
0x36: {  	[sflag:s4] =	ssyncadd.s32 $0xFFFF0000  }
0x37: {  	[tilespmem:s7], [sflag:$0x1] =	stream.indirect.gather [hbm4b:s2+s6], $0x80, s6, s6, $0xb8;
	[tilespmem:$0x10800] =	vst v63  }
0x38: {  	_ =	swait.ge [sflag:s8], $0x10000  }
0x39: {  	[sflag:s8] =	ssyncset.done $0x0  }
0x3a: {  	[sflag:s8] =	ssyncadd.s32 $0xFFFF0000  }
0x3b: {  	[hbm4b:s10+s3] =	stream.linear.scatter [tilespmem:s7], [sflag:$0x2], $0x10000, $0x38;
	[tilespmem:$0x10800] =	vst v63  }
0x3c: {  	_ =	swait.ge [sflag:s4], $0x10000  }
0x3d: {  	[sflag:s4] =	ssyncset.done $0x0  }
0x3e: {  	[sflag:s4] =	ssyncadd.s32 $0xFFFF0000  }
0x3f: {  	[tilespmem:s7], [sflag:$0x1] =	stream.indirect.gather [hbm4b:s2+s6], $0x80, s11, s6, $0xb8;
	[tilespmem:$0x10800] =	vst v63  }
0x40: {  	_ =	swait.ge [sflag:s8], $0x10000  }
0x41: {  	[sflag:s8] =	ssyncset.done $0x0  }
0x42: {  	[sflag:s8] =	ssyncadd.s32 $0xFFFF0000  }
0x43: {  	[hbm4b:s12+s3] =	stream.linear.scatter [tilespmem:s7], [sflag:$0x2], $0x10000, $0x38;
	[tilespmem:$0x10800] =	vst v63  }
0x44: {  	_ =	swait.ge [sflag:s4], $0x10000  }
0x45: {  	[sflag:s4] =	ssyncset.done $0x0  }
0x46: {  	[sflag:s4] =	ssyncadd.s32 $0xFFFF0000  }
0x47: {  	[tilespmem:s7], [sflag:$0x1] =	stream.indirect.gather [hbm4b:s2+s6], $0x80, s13, s6, $0xb8;
	[tilespmem:$0x10800] =	vst v63  }
0x48: {  	_ =	swait.ge [sflag:s8], $0x10000  }
.Ltmp1:
0x49: {  	[sflag:s8] =	ssyncset.done $0x0;
	(pc) =	sbr.rel @p0 .LBB2_1-.Ltmp1, $4  }
0x4a: {  	[sflag:s8] =	ssyncadd.s32 $0xFFFF0000  }
0x4b: {  	[hbm4b:s14+s3] =	stream.linear.scatter [tilespmem:s7], [sflag:$0x2], $0x10000, $0x38;
	[tilespmem:$0x10800] =	vst v63  }
0x4c: {  	_ =	swait.ge [sflag:s4], $0x10000  }
0x4d: {  	[sflag:s4] =	ssyncset.done $0x0  }
.LBB2_2:
0x4e: {  	[sflag:s4] =	ssyncadd.s32 $0xFFFF0000  }
0x4f: {  	_ =	sfence.sel $0x180000  }
0x50: {  	[bflag:$0x0] =	sbarrier.arrive $0xFFFF  }
0x51: {  	p0 =	sne.s32 s0, $0x0;
	_ =	strace $0x90000050  }
0x52: {  	s0 =	sadd.s32 @!p0 $0x100000, s1;
	[bflag:$0x2] =	sbarrier.arrive $0xFFFF  }
0x53: {  	[sflag:s0] =	ssyncadd.tile.s32 @!p0 $0x1;
	_ =	shalt  }
.Lfunc_end2:
_tile_overlayer_lowered:
.L_overlay_start_2:
0x54: {  	(tag) =	ssettag $0x2  }
0x55: {  	s0 =	rddreg [dreg:$0x0];
	s2 =	stileid.u32  }
0x56: {  	s1 =	rddreg [dreg:$0x1];
	p0 =	sne.s32 s2, $0x0  }
0x57: {  	s3 =	rddreg [dreg:$0x2];
	[bflag:$0x3] =	sbarrier.arrive $0xFFFF;
	s2 =	simm.s32 @!p0 $0x1C02  }
0x58: {  	[timem:s3], [sflag:s2] =	dma.local @!p0 [hbm:s0], s1  }
0x59: {  	s0 =	simm.s32 @!p0 $0x2  }
0x5a: {  	_ =	swait.ge @!p0 [sflag:s0], s1  }
0x5b: {  	s1 =	ssub.s32 @!p0 $0x0, s1;
	[sflag:s0] =	ssyncset.done @!p0 $0x0  }
0x5c: {  	[sflag:s0] =	ssyncadd.s32 @!p0 s1  }
0x5d: {  	[bflag:$0x3] =	sbarrier.arrive $0xFFFF  }
0x5e: {  	_ =	shalt  }

</sc_bundles>
